<compile_context>
chip_gen: v7x
topology: tpu7x:2x2x1
jax: 0.10.2.dev20260603
libtpu: 0.0.44.dev20260713+nightly
codegen_flags: <defaults>
</compile_context>

<pallas_src>
import functools

import jax
import jax.numpy as jnp
from jax import lax
from jax.experimental import pallas as pl
from jax.experimental.pallas import tpu as pltpu
from jax.experimental.pallas import tpu_sc as plsc



_CH = 128


def _sc_mem_gather_build(n_mem, d_mem, kb, b):
    info = plsc.get_sparse_core_info()
    nw = info.num_cores * info.num_subcores
    rows_g = kb // nw
    rows_s = b // nw
    nch = rows_g // _CH
    assert kb % (nw * _CH) == 0 and b % (nw * _CH) == 0 and nch % 2 == 0

    mesh = plsc.VectorSubcoreMesh(core_axis_name="c", subcore_axis_name="s")

    @functools.partial(
        pl.kernel,
        out_type=(
            jax.ShapeDtypeStruct((kb, d_mem), jnp.float32),
            jax.ShapeDtypeStruct((b, d_mem), jnp.float32),
        ),
        mesh=mesh,
        compiler_params=pltpu.CompilerParams(use_tc_tiling_on_sc=True),
        scratch_types=[
            pltpu.VMEM((rows_g,), jnp.int32),
            pltpu.VMEM((2, _CH, d_mem), jnp.float32),
            pltpu.SemaphoreType.DMA((2,)),
            pltpu.SemaphoreType.DMA((2,)),
        ],
    )
    def sc_mem_gather(mem_hbm, nbr_hbm, src_hbm, g_hbm, s_hbm,
                      gidx_v, grow_v, ggs, sgs):
        wid = lax.axis_index("s") * info.num_cores + lax.axis_index("c")
        gbase = wid * rows_g

        pltpu.sync_copy(nbr_hbm.at[pl.ds(gbase, rows_g)], gidx_v)

        def start_gather(c, buf):
            idx = gidx_v.at[pl.ds(c * _CH, _CH)]
            pltpu.make_async_copy(mem_hbm.at[idx], grow_v.at[buf],
                                  ggs.at[buf]).start()

        def wait_gather(c, buf):
            pltpu.make_async_copy(mem_hbm.at[gidx_v.at[pl.ds(c * _CH, _CH)]],
                                  grow_v.at[buf], ggs.at[buf]).wait()

        def store(c, buf):
            start = gbase + c * _CH
            cp = pltpu.make_async_copy(grow_v.at[buf],
                                       g_hbm.at[pl.ds(start, _CH)],
                                       sgs.at[buf])
            cp.start()
            cp.wait()

        start_gather(0, 0)
        start_gather(1, 1)

        def pair(c2, _):
            for bsl in (0, 1):
                c = 2 * c2 + bsl
                wait_gather(c, bsl)
                store(c, bsl)
                start_gather(c + 2, bsl)
            return _

        lax.fori_loop(0, (nch - 2) // 2, pair, 0)

        for bsl in (0, 1):
            c = nch - 2 + bsl
            wait_gather(c, bsl)
            store(c, bsl)

        sbase = wid * rows_s

        def schunk(c, _):
            start = sbase + c * _CH
            pltpu.sync_copy(src_hbm.at[pl.ds(start, _CH)],
                            gidx_v.at[pl.ds(0, _CH)])
            cp = pltpu.make_async_copy(
                mem_hbm.at[gidx_v.at[pl.ds(0, _CH)]], grow_v.at[0], ggs.at[0])
            cp.start()
            cp.wait()
            pltpu.sync_copy(grow_v.at[0], s_hbm.at[pl.ds(start, _CH)])
            return _

        lax.fori_loop(0, rows_s // _CH, schunk, 0)

    return sc_mem_gather


def _sc_edge_gather_build(n_edge, d_edge, kb):
    info = plsc.get_sparse_core_info()
    nw = info.num_cores * info.num_subcores
    rows_g = kb // nw
    nch = rows_g // _CH
    assert kb % (nw * _CH) == 0 and nch % 2 == 0

    mesh = plsc.VectorSubcoreMesh(core_axis_name="c", subcore_axis_name="s")

    @functools.partial(
        pl.kernel,
        out_type=jax.ShapeDtypeStruct((kb, d_edge), jnp.float32),
        mesh=mesh,
        compiler_params=pltpu.CompilerParams(use_tc_tiling_on_sc=False),
        scratch_types=[
            pltpu.VMEM((rows_g,), jnp.int32),
            pltpu.VMEM((2, _CH, d_edge), jnp.float32),
            pltpu.SemaphoreType.DMA((2,)),
            pltpu.SemaphoreType.DMA((2,)),
        ],
    )
    def sc_edge_gather(ef_hbm, eidx_hbm, e_hbm, eidx_v, erow_v, ges, ses):
        wid = lax.axis_index("s") * info.num_cores + lax.axis_index("c")
        gbase = wid * rows_g

        pltpu.sync_copy(eidx_hbm.at[pl.ds(gbase, rows_g)], eidx_v)

        def start_gather(c, buf):
            idx = eidx_v.at[pl.ds(c * _CH, _CH)]
            pltpu.make_async_copy(ef_hbm.at[idx], erow_v.at[buf],
                                  ges.at[buf]).start()

        def wait_gather(c, buf):
            pltpu.make_async_copy(ef_hbm.at[eidx_v.at[pl.ds(c * _CH, _CH)]],
                                  erow_v.at[buf], ges.at[buf]).wait()

        def store(c, buf):
            start = gbase + c * _CH
            cp = pltpu.make_async_copy(erow_v.at[buf],
                                       e_hbm.at[pl.ds(start, _CH)],
                                       ses.at[buf])
            cp.start()
            cp.wait()

        start_gather(0, 0)
        start_gather(1, 1)

        def pair(c2, _):
            for bsl in (0, 1):
                c = 2 * c2 + bsl
                wait_gather(c, bsl)
                store(c, bsl)
                start_gather(c + 2, bsl)
            return _

        lax.fori_loop(0, (nch - 2) // 2, pair, 0)

        for bsl in (0, 1):
            c = nch - 2 + bsl
            wait_gather(c, bsl)
            store(c, bsl)

    return sc_edge_gather



_SB = 256

_INV2PI = 0.15915494309189535
_COS_C = (0.999999999919301, -19.739208758190394, 64.93939011212122,
          -85.45668534688727, 60.24246425821691, -26.406758112630982,
          7.806598832245124, -1.460935766960412)


def _cos_turns(t):
    n = jnp.floor(t + 0.5)
    u = t - n
    v = u * u
    acc = jnp.float32(_COS_C[-1])
    for c in _COS_C[-2::-1]:
        acc = acc * v + jnp.float32(c)
    return acc


def _tc_body(k, sb,
             g_ref, ef_ref, src_ref, ts_ref, et_ref, nbr_ref,
             w1a_ref, w1b_ref, w1c_ref, w2a_ref, w2b_ref, w2c_ref,
             tw_ref, tb_ref, b1_ref, b2_ref, out_ref):
    f32 = jnp.float32
    dflat = ts_ref[...] - et_ref[...]
    tw_t = tw_ref[...] * _INV2PI
    tb_t = tb_ref[...] * _INV2PI
    t_feat = _cos_turns(dflat * tw_t + tb_t)

    g = g_ref[...]
    ef = ef_ref[...]

    acc = jnp.dot(g, w1a_ref[...], preferred_element_type=f32)
    acc += jnp.dot(t_feat, w1b_ref[...], preferred_element_type=f32)
    acc += jnp.dot(ef, w1c_ref[...], preferred_element_type=f32)
    acc += b1_ref[...]
    h = jnp.maximum(acc, 0.0)
    h = jnp.where(nbr_ref[...] == 0, 0.0, h)
    hsum = h.reshape(sb, k, h.shape[-1]).sum(axis=1)

    src_time = _cos_turns(tb_t)
    const = jnp.dot(src_time, w2c_ref[...], preferred_element_type=f32)

    out = jnp.dot(hsum, w2a_ref[...], preferred_element_type=f32)
    out += jnp.dot(src_ref[...], w2b_ref[...], preferred_element_type=f32)
    out += const + b2_ref[...]
    out_ref[...] = jnp.maximum(out, 0.0)


def _tc_fused(g2, ef2, src, ts_col, et_col, nbr_col,
              w1a, w1b, w1c, w2a, w2b, w2c, tw, tb, b1, b2):
    kb, d_mem = g2.shape
    d_edge = ef2.shape[-1]
    d_time = tw.shape[-1]
    d_emb = w1a.shape[-1]
    b = src.shape[0]
    k = kb // b
    grid = (b // _SB,)

    rows = pl.BlockSpec((_SB * k, d_mem), lambda i: (i, 0))
    erows = pl.BlockSpec((_SB * k, d_edge), lambda i: (i, 0))
    colspec = pl.BlockSpec((_SB * k, 1), lambda i: (i, 0))
    full2 = lambda r, c: pl.BlockSpec((r, c), lambda i: (0, 0))
    return pl.pallas_call(
        functools.partial(_tc_body, k, _SB),
        grid=grid,
        in_specs=[
            rows,
            erows,
            pl.BlockSpec((_SB, d_mem), lambda i: (i, 0)),
            colspec,
            colspec,
            colspec,
            full2(d_mem, d_emb),
            full2(d_time, d_emb),
            full2(d_edge, d_emb),
            full2(d_emb, d_emb),
            full2(d_mem, d_emb),
            full2(d_time, d_emb),
            full2(1, d_time),
            full2(1, d_time),
            full2(1, d_emb),
            full2(1, d_emb),
        ],
        out_specs=pl.BlockSpec((_SB, d_emb), lambda i: (i, 0)),
        out_shape=jax.ShapeDtypeStruct((b, d_emb), jnp.float32),
    )(g2, ef2, src, ts_col, et_col, nbr_col,
      w1a, w1b, w1c, w2a, w2b, w2c, tw, tb, b1, b2)



def kernel(memory, source_nodes, timestamps, neighbors, edge_idxs, edge_times,
           edge_features, time_w, time_b, W1, b1, W2, b2):
    b, k = neighbors.shape
    n_mem, d_mem = memory.shape
    n_edge, d_edge = edge_features.shape
    d_time = time_w.shape[0]
    d_emb = W1.shape[1]

    nbr_flat = neighbors.reshape(-1).astype(jnp.int32)
    eidx_flat = edge_idxs.reshape(-1).astype(jnp.int32)

    sc_mem_gather = _sc_mem_gather_build(n_mem, d_mem, k * b, b)
    g_flat, src_rows = sc_mem_gather(
        memory, nbr_flat, source_nodes.astype(jnp.int32))
    sc_edge_gather = _sc_edge_gather_build(n_edge, d_edge, k * b)
    e_flat = sc_edge_gather(edge_features, eidx_flat)

    w1a = W1[:d_mem]
    w1b = W1[d_mem:d_mem + d_time]
    w1c = W1[d_mem + d_time:]
    w2a = W2[:d_emb]
    w2b = W2[d_emb:d_emb + d_mem]
    w2c = W2[d_emb + d_mem:]

    out = _tc_fused(
        g_flat, e_flat, src_rows,
        jnp.broadcast_to(timestamps[:, None, None], (b, k, 1)).reshape(b * k, 1),
        edge_times.reshape(b * k, 1),
        neighbors.astype(jnp.int32).reshape(b * k, 1),
        w1a, w1b, w1c, w2a, w2b, w2c,
        time_w.reshape(1, d_time), time_b.reshape(1, d_time),
        b1.reshape(1, d_emb), b2.reshape(1, d_emb))
    return out

# --- scband reference (transcript-rebuilt; emitter-appended) ---
"""Pipeline reference for scband-graph-embedding-85804856639709 (READ-ONLY COPY).

The authoritative reference and input builder live on the scoring server;
editing this copy changes nothing except your own understanding.
"""

import jax, jax.numpy as jnp
import numpy as np

B, K = 16384, 20
N, E = 100000, 1600000
D_MEM, D_TIME, D_EDGE, D_EMB = 128, 100, 16, 128


def setup_inputs(seed: int = 0):
    key = jax.random.key(seed)
    ks = jax.random.split(key, 12)
    memory = jax.random.normal(ks[0], (N, D_MEM), dtype=jnp.float32)
    source_nodes = jax.random.randint(ks[1], (B,), 0, N)
    timestamps = jax.random.uniform(ks[2], (B,), dtype=jnp.float32) * 10000.0
    neighbors = jax.random.randint(ks[3], (B, K), 0, N)
    edge_idxs = jax.random.randint(ks[4], (B, K), 0, E)
    edge_times = jax.random.uniform(ks[5], (B, K), dtype=jnp.float32) * 10000.0
    edge_features = jax.random.normal(ks[6], (E, D_EDGE), dtype=jnp.float32)
    time_w = jax.random.normal(ks[7], (D_TIME,), dtype=jnp.float32)
    time_b = jax.random.normal(ks[8], (D_TIME,), dtype=jnp.float32)
    W1 = jax.random.normal(ks[9], (D_MEM + D_TIME + D_EDGE, D_EMB), dtype=jnp.float32) * 0.05
    b1 = jnp.zeros((D_EMB,), dtype=jnp.float32)
    W2 = jax.random.normal(ks[10], (D_EMB + D_MEM + D_TIME, D_EMB), dtype=jnp.float32) * 0.05
    b2 = jnp.zeros((D_EMB,), dtype=jnp.float32)
    return {"memory": memory, "source_nodes": source_nodes, "timestamps": timestamps,
            "neighbors": neighbors, "edge_idxs": edge_idxs, "edge_times": edge_times,
            "edge_features": edge_features, "time_w": time_w, "time_b": time_b,
            "W1": W1, "b1": b1, "W2": W2, "b2": b2}


def reference(memory, source_nodes, timestamps, neighbors, edge_idxs, edge_times,
              edge_features, time_w, time_b, W1, b1, W2, b2):
    # TGN GraphEmbedding.compute_embedding, single layer (n_layers=1),
    # neighbor sampling precomputed (neighbors, edge_idxs, edge_times).
    b, k = neighbors.shape
    # edge_deltas = timestamps[:, None] - edge_times
    edge_deltas = timestamps[:, None] - edge_times
    # time encoder: cos(t * w + b)  (TGN TimeEncode)
    edge_time_emb = jnp.cos(edge_deltas[..., None] * time_w + time_b)  # [B, K, D_TIME]
    src_time_emb = jnp.cos(jnp.zeros((b, 1, 1), jnp.float32) * time_w + time_b)[:, 0, :]  # [B, D_TIME]
    # source_node_features = memory[source_nodes, :]
    src_feat = jnp.take(memory, source_nodes, axis=0)  # [B, D_MEM]
    # neighbor embeddings (layer 0 == memory rows), gathered per flattened neighbor
    neigh_emb = jnp.take(memory, neighbors.reshape(-1), axis=0).reshape(b, k, -1)  # [B, K, D_MEM]
    # edge_features = self.edge_features[edge_idxs, :]
    edge_feat = jnp.take(edge_features, edge_idxs.reshape(-1), axis=0).reshape(b, k, -1)  # [B, K, D_EDGE]
    # mask = neighbors == 0
    mask = neighbors == 0
    # aggregate (graph-sum aggregator): linear over [neigh, time, edge] -> masked sum -> combine
    nfeat = jnp.concatenate([neigh_emb, edge_time_emb, edge_feat], axis=-1)  # [B, K, 244]
    h = jax.nn.relu(nfeat @ W1 + b1)  # [B, K, D_EMB]
    h = jnp.where(mask[..., None], 0.0, h).sum(axis=1)  # [B, D_EMB]
    comb = jnp.concatenate([h, src_feat, src_time_emb], axis=-1)  # [B, 356]
    out = jax.nn.relu(comb @ W2 + b2)  # [B, D_EMB]
    return out


if False:  # reference __main__ guard neutralized (emitter)
    inp = setup_inputs()
    o = reference(**inp)
    print(o.shape, o.dtype)

if __name__ == "__main__":
    import jax
    _d = setup_inputs()
    print(jax.jit(kernel)(*tuple(_d.values())))

</pallas_src>

<mosaic_0001>
#map = affine_map<(d0, d1) -> (0, 0)>
#map1 = affine_map<(d0, d1) -> (0)>
module attributes {stable_mosaic.version = 14 : i64} {
  func.func @sc_edge_gather(%arg0: i32, %arg1: i32, %arg2: memref<1600000x16xf32, #tpu.memory_space<hbm>>, %arg3: memref<327680xi32, #tpu.memory_space<hbm>>, %arg4: memref<327680x16xf32, #tpu.memory_space<hbm>>, %arg5: memref<10240xi32, #tpu.memory_space<vmem>>, %arg6: memref<2x128x16xf32, #tpu.memory_space<vmem>>, %arg7: memref<2x!tpu.dma_semaphore, #tpu.memory_space<semaphore_mem>>, %arg8: memref<2x!tpu.dma_semaphore, #tpu.memory_space<semaphore_mem>>) attributes {dimension_semantics = [#tpu.dimension_semantics<core_parallel>, #tpu.dimension_semantics<subcore_parallel>], iteration_bounds = array<i64: 2, 16>, scalar_prefetch = 0 : i64, scratch_operands = 4 : i64, tpu.core_type = #tpu.core_type<sc_vector_subcore>, window_params = [{transform_indices = #map}, {transform_indices = #map1}, {transform_indices = #map}]} {
    %mul3A = arith.constant 2 : i32
    %mul3A_0 = arith.muli %arg1, %mul3A : i32
    %add3A = arith.addi %mul3A_0, %arg0 : i32
    %mul3A_1 = arith.constant 10240 : i32
    %mul3A_2 = arith.muli %add3A, %mul3A_1 : i32
    "tpu.region"() ({
      %run_scoped3A = tpu.sem_alloc : memref<!tpu.dma_semaphore, #tpu.memory_space<semaphore_mem>>
      %dma_start3A_126 = tpu.memref_slice %arg3[%mul3A_2] : memref<327680xi32, #tpu.memory_space<hbm>> -> memref<10240xi32, #tpu.memory_space<hbm>>
      %dma_start3A_127 = tpu.memref_slice %arg3[%mul3A_2] : memref<327680xi32, #tpu.memory_space<hbm>> -> memref<10240xi32, #tpu.memory_space<hbm>>
      tpu.enqueue_dma source(%dma_start3A_127 : memref<10240xi32, #tpu.memory_space<hbm>>) target(%arg5 : memref<10240xi32, #tpu.memory_space<vmem>>) target_semaphore(%run_scoped3A : memref<!tpu.dma_semaphore, #tpu.memory_space<semaphore_mem>>)
      %dma_wait3A_128 = tpu.memref_slice %arg3[%mul3A_2] : memref<327680xi32, #tpu.memory_space<hbm>> -> memref<10240xi32, #tpu.memory_space<hbm>>
      %dma_wait3A_129 = tpu.memref_slice %arg3[%mul3A_2] : memref<327680xi32, #tpu.memory_space<hbm>> -> memref<10240xi32, #tpu.memory_space<hbm>>
      tpu.wait_dma2 semaphore(%run_scoped3A : memref<!tpu.dma_semaphore, #tpu.memory_space<semaphore_mem>>) src(%dma_wait3A_129 : memref<10240xi32, #tpu.memory_space<hbm>>) dst(%arg5 : memref<10240xi32, #tpu.memory_space<vmem>>)
      tpu.yield
    }) : () -> ()
    %dma_start3A = arith.constant 0 : i32
    %dma_start3A_3 = arith.constant 0 : i32
    %dma_start3A_4 = arith.constant 0 : i32
    %dma_start3A_5 = arith.constant 0 : i32
    %dma_start3A_6 = tpu.memref_slice %arg6[%dma_start3A, %dma_start3A_4, %dma_start3A_5] : memref<2x128x16xf32, #tpu.memory_space<vmem>> -> memref<1x128x16xf32, #tpu.memory_space<vmem>>
    %dma_start3A_7 = tpu.memref_squeeze %dma_start3A_6 : memref<1x128x16xf32, #tpu.memory_space<vmem>> -> memref<128x16xf32, #tpu.memory_space<vmem>>
    %dma_start3A_8 = arith.constant 0 : i32
    %dma_start3A_9 = tpu.memref_slice %arg5[%dma_start3A_8] : memref<10240xi32, #tpu.memory_space<vmem>> -> memref<128xi32, #tpu.memory_space<vmem>>
    %dma_start3A_10 = arith.constant 0 : i32
    %dma_start3A_11 = arith.constant 0 : i32
    %dma_start3A_12 = tpu.memref_slice %arg2[%dma_start3A_10, %dma_start3A_11] : memref<1600000x16xf32, #tpu.memory_space<hbm>> -> memref<1600000x16xf32, #tpu.memory_space<hbm>>
    %dma_start3A_13 = tpu.memref_slice %arg7[%dma_start3A_3] : memref<2x!tpu.dma_semaphore, #tpu.memory_space<semaphore_mem>> -> memref<1x!tpu.dma_semaphore, #tpu.memory_space<semaphore_mem>>
    %dma_start3A_14 = tpu.memref_squeeze %dma_start3A_13 : memref<1x!tpu.dma_semaphore, #tpu.memory_space<semaphore_mem>> -> memref<!tpu.dma_semaphore, #tpu.memory_space<semaphore_mem>>
    tpu.enqueue_indirect_dma source(%dma_start3A_12 : memref<1600000x16xf32, #tpu.memory_space<hbm>>) target(%dma_start3A_7 : memref<128x16xf32, #tpu.memory_space<vmem>>) offsets(%dma_start3A_9 : memref<128xi32, #tpu.memory_space<vmem>>) semaphore(%dma_start3A_14 : memref<!tpu.dma_semaphore, #tpu.memory_space<semaphore_mem>>)
    %dma_start3A_15 = arith.constant 1 : i32
    %dma_start3A_16 = arith.constant 1 : i32
    %dma_start3A_17 = arith.constant 0 : i32
    %dma_start3A_18 = arith.constant 0 : i32
    %dma_start3A_19 = tpu.memref_slice %arg6[%dma_start3A_15, %dma_start3A_17, %dma_start3A_18] : memref<2x128x16xf32, #tpu.memory_space<vmem>> -> memref<1x128x16xf32, #tpu.memory_space<vmem>>
    %dma_start3A_20 = tpu.memref_squeeze %dma_start3A_19 : memref<1x128x16xf32, #tpu.memory_space<vmem>> -> memref<128x16xf32, #tpu.memory_space<vmem>>
    %dma_start3A_21 = arith.constant 128 : i32
    %dma_start3A_22 = tpu.memref_slice %arg5[%dma_start3A_21] : memref<10240xi32, #tpu.memory_space<vmem>> -> memref<128xi32, #tpu.memory_space<vmem>>
    %dma_start3A_23 = arith.constant 0 : i32
    %dma_start3A_24 = arith.constant 0 : i32
    %dma_start3A_25 = tpu.memref_slice %arg2[%dma_start3A_23, %dma_start3A_24] : memref<1600000x16xf32, #tpu.memory_space<hbm>> -> memref<1600000x16xf32, #tpu.memory_space<hbm>>
    %dma_start3A_26 = tpu.memref_slice %arg7[%dma_start3A_16] : memref<2x!tpu.dma_semaphore, #tpu.memory_space<semaphore_mem>> -> memref<1x!tpu.dma_semaphore, #tpu.memory_space<semaphore_mem>>
    %dma_start3A_27 = tpu.memref_squeeze %dma_start3A_26 : memref<1x!tpu.dma_semaphore, #tpu.memory_space<semaphore_mem>> -> memref<!tpu.dma_semaphore, #tpu.memory_space<semaphore_mem>>
    tpu.enqueue_indirect_dma source(%dma_start3A_25 : memref<1600000x16xf32, #tpu.memory_space<hbm>>) target(%dma_start3A_20 : memref<128x16xf32, #tpu.memory_space<vmem>>) offsets(%dma_start3A_22 : memref<128xi32, #tpu.memory_space<vmem>>) semaphore(%dma_start3A_27 : memref<!tpu.dma_semaphore, #tpu.memory_space<semaphore_mem>>)
    %scan3A = arith.constant 0 : i32
    %scan3A_28 = arith.constant 0 : i32
    %scan3A_29 = arith.constant 39 : i32
    %scan3A_30 = arith.addi %scan3A_28, %scan3A_29 : i32
    %scan3A_31 = arith.constant 1 : i32
    scf.for %scan3A_126 = %scan3A_28 to %scan3A_30 step %scan3A_31  : i32 {
      %mul3A_127 = arith.constant 2 : i32
      %mul3A_128 = arith.muli %mul3A_127, %scan3A_126 : i32
      %add3A_129 = arith.constant 0 : i32
      %add3A_130 = arith.addi %mul3A_128, %add3A_129 : i32
      %mul3A_131 = arith.constant 128 : i32
      %mul3A_132 = arith.muli %add3A_130, %mul3A_131 : i32
      %dma_wait3A_133 = arith.constant 0 : i32
      %dma_wait3A_134 = arith.constant 0 : i32
      %dma_wait3A_135 = arith.constant 0 : i32
      %dma_wait3A_136 = arith.constant 0 : i32
      %dma_wait3A_137 = tpu.memref_slice %arg6[%dma_wait3A_133, %dma_wait3A_135, %dma_wait3A_136] : memref<2x128x16xf32, #tpu.memory_space<vmem>> -> memref<1x128x16xf32, #tpu.memory_space<vmem>>
      %dma_wait3A_138 = tpu.memref_squeeze %dma_wait3A_137 : memref<1x128x16xf32, #tpu.memory_space<vmem>> -> memref<128x16xf32, #tpu.memory_space<vmem>>
      %dma_wait3A_139 = tpu.memref_slice %arg5[%mul3A_132] : memref<10240xi32, #tpu.memory_space<vmem>> -> memref<128xi32, #tpu.memory_space<vmem>>
      %dma_wait3A_140 = arith.constant 0 : i32
      %dma_wait3A_141 = arith.constant 0 : i32
      %dma_wait3A_142 = tpu.memref_slice %arg2[%dma_wait3A_140, %dma_wait3A_141] : memref<1600000x16xf32, #tpu.memory_space<hbm>> -> memref<1600000x16xf32, #tpu.memory_space<hbm>>
      %dma_wait3A_143 = tpu.memref_slice %arg7[%dma_wait3A_134] : memref<2x!tpu.dma_semaphore, #tpu.memory_space<semaphore_mem>> -> memref<1x!tpu.dma_semaphore, #tpu.memory_space<semaphore_mem>>
      %dma_wait3A_144 = tpu.memref_squeeze %dma_wait3A_143 : memref<1x!tpu.dma_semaphore, #tpu.memory_space<semaphore_mem>> -> memref<!tpu.dma_semaphore, #tpu.memory_space<semaphore_mem>>
      tpu.wait_indirect_dma semaphore(%dma_wait3A_144 : memref<!tpu.dma_semaphore, #tpu.memory_space<semaphore_mem>>) src(%dma_wait3A_142 : memref<1600000x16xf32, #tpu.memory_space<hbm>>) dst(%dma_wait3A_138 : memref<128x16xf32, #tpu.memory_space<vmem>>)
      %mul3A_145 = arith.constant 128 : i32
      %mul3A_146 = arith.muli %add3A_130, %mul3A_145 : i32
      %add3A_147 = arith.addi %mul3A_2, %mul3A_146 : i32
      %dma_start3A_148 = arith.constant 0 : i32
      %dma_start3A_149 = arith.constant 0 : i32
      %dma_start3A_150 = arith.constant 0 : i32
      %dma_start3A_151 = arith.constant 0 : i32
      %dma_start3A_152 = tpu.memref_slice %arg6[%dma_start3A_148, %dma_start3A_150, %dma_start3A_151] : memref<2x128x16xf32, #tpu.memory_space<vmem>> -> memref<1x128x16xf32, #tpu.memory_space<vmem>>
      %dma_start3A_153 = tpu.memref_squeeze %dma_start3A_152 : memref<1x128x16xf32, #tpu.memory_space<vmem>> -> memref<128x16xf32, #tpu.memory_space<vmem>>
      %dma_start3A_154 = arith.constant 0 : i32
      %dma_start3A_155 = tpu.memref_slice %arg4[%add3A_147, %dma_start3A_154] : memref<327680x16xf32, #tpu.memory_space<hbm>> -> memref<128x16xf32, #tpu.memory_space<hbm>>
      %dma_start3A_156 = tpu.memref_slice %arg8[%dma_start3A_149] : memref<2x!tpu.dma_semaphore, #tpu.memory_space<semaphore_mem>> -> memref<1x!tpu.dma_semaphore, #tpu.memory_space<semaphore_mem>>
      %dma_start3A_157 = tpu.memref_squeeze %dma_start3A_156 : memref<1x!tpu.dma_semaphore, #tpu.memory_space<semaphore_mem>> -> memref<!tpu.dma_semaphore, #tpu.memory_space<semaphore_mem>>
      %dma_start3A_158 = arith.constant 0 : i32
      %dma_start3A_159 = tpu.memref_slice %arg4[%add3A_147, %dma_start3A_158] : memref<327680x16xf32, #tpu.memory_space<hbm>> -> memref<128x16xf32, #tpu.memory_space<hbm>>
      %dma_start3A_160 = arith.constant 0 : i32
      %dma_start3A_161 = arith.constant 0 : i32
      %dma_start3A_162 = tpu.memref_slice %arg6[%dma_start3A_148, %dma_start3A_160, %dma_start3A_161] : memref<2x128x16xf32, #tpu.memory_space<vmem>> -> memref<1x128x16xf32, #tpu.memory_space<vmem>>
      %dma_start3A_163 = tpu.memref_squeeze %dma_start3A_162 : memref<1x128x16xf32, #tpu.memory_space<vmem>> -> memref<128x16xf32, #tpu.memory_space<vmem>>
      tpu.enqueue_dma source(%dma_start3A_163 : memref<128x16xf32, #tpu.memory_space<vmem>>) target(%dma_start3A_159 : memref<128x16xf32, #tpu.memory_space<hbm>>) target_semaphore(%dma_start3A_157 : memref<!tpu.dma_semaphore, #tpu.memory_space<semaphore_mem>>)
      %dma_wait3A_164 = arith.constant 0 : i32
      %dma_wait3A_165 = arith.constant 0 : i32
      %dma_wait3A_166 = arith.constant 0 : i32
      %dma_wait3A_167 = arith.constant 0 : i32
      %dma_wait3A_168 = tpu.memref_slice %arg6[%dma_wait3A_164, %dma_wait3A_166, %dma_wait3A_167] : memref<2x128x16xf32, #tpu.memory_space<vmem>> -> memref<1x128x16xf32, #tpu.memory_space<vmem>>
      %dma_wait3A_169 = tpu.memref_squeeze %dma_wait3A_168 : memref<1x128x16xf32, #tpu.memory_space<vmem>> -> memref<128x16xf32, #tpu.memory_space<vmem>>
      %dma_wait3A_170 = arith.constant 0 : i32
      %dma_wait3A_171 = tpu.memref_slice %arg4[%add3A_147, %dma_wait3A_170] : memref<327680x16xf32, #tpu.memory_space<hbm>> -> memref<128x16xf32, #tpu.memory_space<hbm>>
      %dma_wait3A_172 = tpu.memref_slice %arg8[%dma_wait3A_165] : memref<2x!tpu.dma_semaphore, #tpu.memory_space<semaphore_mem>> -> memref<1x!tpu.dma_semaphore, #tpu.memory_space<semaphore_mem>>
      %dma_wait3A_173 = tpu.memref_squeeze %dma_wait3A_172 : memref<1x!tpu.dma_semaphore, #tpu.memory_space<semaphore_mem>> -> memref<!tpu.dma_semaphore, #tpu.memory_space<semaphore_mem>>
      %dma_wait3A_174 = arith.constant 0 : i32
      %dma_wait3A_175 = tpu.memref_slice %arg4[%add3A_147, %dma_wait3A_174] : memref<327680x16xf32, #tpu.memory_space<hbm>> -> memref<128x16xf32, #tpu.memory_space<hbm>>
      %dma_wait3A_176 = arith.constant 0 : i32
      %dma_wait3A_177 = arith.constant 0 : i32
      %dma_wait3A_178 = tpu.memref_slice %arg6[%dma_wait3A_164, %dma_wait3A_176, %dma_wait3A_177] : memref<2x128x16xf32, #tpu.memory_space<vmem>> -> memref<1x128x16xf32, #tpu.memory_space<vmem>>
      %dma_wait3A_179 = tpu.memref_squeeze %dma_wait3A_178 : memref<1x128x16xf32, #tpu.memory_space<vmem>> -> memref<128x16xf32, #tpu.memory_space<vmem>>
      tpu.wait_dma2 semaphore(%dma_wait3A_173 : memref<!tpu.dma_semaphore, #tpu.memory_space<semaphore_mem>>) src(%dma_wait3A_179 : memref<128x16xf32, #tpu.memory_space<vmem>>) dst(%dma_wait3A_175 : memref<128x16xf32, #tpu.memory_space<hbm>>)
      %add3A_180 = arith.constant 2 : i32
      %add3A_181 = arith.addi %add3A_130, %add3A_180 : i32
      %mul3A_182 = arith.constant 128 : i32
      %mul3A_183 = arith.muli %add3A_181, %mul3A_182 : i32
      %dma_start3A_184 = arith.constant 0 : i32
      %dma_start3A_185 = arith.constant 0 : i32
      %dma_start3A_186 = arith.constant 0 : i32
      %dma_start3A_187 = arith.constant 0 : i32
      %dma_start3A_188 = tpu.memref_slice %arg6[%dma_start3A_184, %dma_start3A_186, %dma_start3A_187] : memref<2x128x16xf32, #tpu.memory_space<vmem>> -> memref<1x128x16xf32, #tpu.memory_space<vmem>>
      %dma_start3A_189 = tpu.memref_squeeze %dma_start3A_188 : memref<1x128x16xf32, #tpu.memory_space<vmem>> -> memref<128x16xf32, #tpu.memory_space<vmem>>
      %dma_start3A_190 = tpu.memref_slice %arg5[%mul3A_183] : memref<10240xi32, #tpu.memory_space<vmem>> -> memref<128xi32, #tpu.memory_space<vmem>>
      %dma_start3A_191 = arith.constant 0 : i32
      %dma_start3A_192 = arith.constant 0 : i32
      %dma_start3A_193 = tpu.memref_slice %arg2[%dma_start3A_191, %dma_start3A_192] : memref<1600000x16xf32, #tpu.memory_space<hbm>> -> memref<1600000x16xf32, #tpu.memory_space<hbm>>
      %dma_start3A_194 = tpu.memref_slice %arg7[%dma_start3A_185] : memref<2x!tpu.dma_semaphore, #tpu.memory_space<semaphore_mem>> -> memref<1x!tpu.dma_semaphore, #tpu.memory_space<semaphore_mem>>
      %dma_start3A_195 = tpu.memref_squeeze %dma_start3A_194 : memref<1x!tpu.dma_semaphore, #tpu.memory_space<semaphore_mem>> -> memref<!tpu.dma_semaphore, #tpu.memory_space<semaphore_mem>>
      tpu.enqueue_indirect_dma source(%dma_start3A_193 : memref<1600000x16xf32, #tpu.memory_space<hbm>>) target(%dma_start3A_189 : memref<128x16xf32, #tpu.memory_space<vmem>>) offsets(%dma_start3A_190 : memref<128xi32, #tpu.memory_space<vmem>>) semaphore(%dma_start3A_195 : memref<!tpu.dma_semaphore, #tpu.memory_space<semaphore_mem>>)
      %mul3A_196 = arith.constant 2 : i32
      %mul3A_197 = arith.muli %mul3A_196, %scan3A_126 : i32
      %add3A_198 = arith.constant 1 : i32
      %add3A_199 = arith.addi %mul3A_197, %add3A_198 : i32
      %mul3A_200 = arith.constant 128 : i32
      %mul3A_201 = arith.muli %add3A_199, %mul3A_200 : i32
      %dma_wait3A_202 = arith.constant 1 : i32
      %dma_wait3A_203 = arith.constant 1 : i32
      %dma_wait3A_204 = arith.constant 0 : i32
      %dma_wait3A_205 = arith.constant 0 : i32
      %dma_wait3A_206 = tpu.memref_slice %arg6[%dma_wait3A_202, %dma_wait3A_204, %dma_wait3A_205] : memref<2x128x16xf32, #tpu.memory_space<vmem>> -> memref<1x128x16xf32, #tpu.memory_space<vmem>>
      %dma_wait3A_207 = tpu.memref_squeeze %dma_wait3A_206 : memref<1x128x16xf32, #tpu.memory_space<vmem>> -> memref<128x16xf32, #tpu.memory_space<vmem>>
      %dma_wait3A_208 = tpu.memref_slice %arg5[%mul3A_201] : memref<10240xi32, #tpu.memory_space<vmem>> -> memref<128xi32, #tpu.memory_space<vmem>>
      %dma_wait3A_209 = arith.constant 0 : i32
      %dma_wait3A_210 = arith.constant 0 : i32
      %dma_wait3A_211 = tpu.memref_slice %arg2[%dma_wait3A_209, %dma_wait3A_210] : memref<1600000x16xf32, #tpu.memory_space<hbm>> -> memref<1600000x16xf32, #tpu.memory_space<hbm>>
      %dma_wait3A_212 = tpu.memref_slice %arg7[%dma_wait3A_203] : memref<2x!tpu.dma_semaphore, #tpu.memory_space<semaphore_mem>> -> memref<1x!tpu.dma_semaphore, #tpu.memory_space<semaphore_mem>>
      %dma_wait3A_213 = tpu.memref_squeeze %dma_wait3A_212 : memref<1x!tpu.dma_semaphore, #tpu.memory_space<semaphore_mem>> -> memref<!tpu.dma_semaphore, #tpu.memory_space<semaphore_mem>>
      tpu.wait_indirect_dma semaphore(%dma_wait3A_213 : memref<!tpu.dma_semaphore, #tpu.memory_space<semaphore_mem>>) src(%dma_wait3A_211 : memref<1600000x16xf32, #tpu.memory_space<hbm>>) dst(%dma_wait3A_207 : memref<128x16xf32, #tpu.memory_space<vmem>>)
      %mul3A_214 = arith.constant 128 : i32
      %mul3A_215 = arith.muli %add3A_199, %mul3A_214 : i32
      %add3A_216 = arith.addi %mul3A_2, %mul3A_215 : i32
      %dma_start3A_217 = arith.constant 1 : i32
      %dma_start3A_218 = arith.constant 1 : i32
      %dma_start3A_219 = arith.constant 0 : i32
      %dma_start3A_220 = arith.constant 0 : i32
      %dma_start3A_221 = tpu.memref_slice %arg6[%dma_start3A_217, %dma_start3A_219, %dma_start3A_220] : memref<2x128x16xf32, #tpu.memory_space<vmem>> -> memref<1x128x16xf32, #tpu.memory_space<vmem>>
      %dma_start3A_222 = tpu.memref_squeeze %dma_start3A_221 : memref<1x128x16xf32, #tpu.memory_space<vmem>> -> memref<128x16xf32, #tpu.memory_space<vmem>>
      %dma_start3A_223 = arith.constant 0 : i32
      %dma_start3A_224 = tpu.memref_slice %arg4[%add3A_216, %dma_start3A_223] : memref<327680x16xf32, #tpu.memory_space<hbm>> -> memref<128x16xf32, #tpu.memory_space<hbm>>
      %dma_start3A_225 = tpu.memref_slice %arg8[%dma_start3A_218] : memref<2x!tpu.dma_semaphore, #tpu.memory_space<semaphore_mem>> -> memref<1x!tpu.dma_semaphore, #tpu.memory_space<semaphore_mem>>
      %dma_start3A_226 = tpu.memref_squeeze %dma_start3A_225 : memref<1x!tpu.dma_semaphore, #tpu.memory_space<semaphore_mem>> -> memref<!tpu.dma_semaphore, #tpu.memory_space<semaphore_mem>>
      %dma_start3A_227 = arith.constant 0 : i32
      %dma_start3A_228 = tpu.memref_slice %arg4[%add3A_216, %dma_start3A_227] : memref<327680x16xf32, #tpu.memory_space<hbm>> -> memref<128x16xf32, #tpu.memory_space<hbm>>
      %dma_start3A_229 = arith.constant 0 : i32
      %dma_start3A_230 = arith.constant 0 : i32
      %dma_start3A_231 = tpu.memref_slice %arg6[%dma_start3A_217, %dma_start3A_229, %dma_start3A_230] : memref<2x128x16xf32, #tpu.memory_space<vmem>> -> memref<1x128x16xf32, #tpu.memory_space<vmem>>
      %dma_start3A_232 = tpu.memref_squeeze %dma_start3A_231 : memref<1x128x16xf32, #tpu.memory_space<vmem>> -> memref<128x16xf32, #tpu.memory_space<vmem>>
      tpu.enqueue_dma source(%dma_start3A_232 : memref<128x16xf32, #tpu.memory_space<vmem>>) target(%dma_start3A_228 : memref<128x16xf32, #tpu.memory_space<hbm>>) target_semaphore(%dma_start3A_226 : memref<!tpu.dma_semaphore, #tpu.memory_space<semaphore_mem>>)
      %dma_wait3A_233 = arith.constant 1 : i32
      %dma_wait3A_234 = arith.constant 1 : i32
      %dma_wait3A_235 = arith.constant 0 : i32
      %dma_wait3A_236 = arith.constant 0 : i32
      %dma_wait3A_237 = tpu.memref_slice %arg6[%dma_wait3A_233, %dma_wait3A_235, %dma_wait3A_236] : memref<2x128x16xf32, #tpu.memory_space<vmem>> -> memref<1x128x16xf32, #tpu.memory_space<vmem>>
      %dma_wait3A_238 = tpu.memref_squeeze %dma_wait3A_237 : memref<1x128x16xf32, #tpu.memory_space<vmem>> -> memref<128x16xf32, #tpu.memory_space<vmem>>
      %dma_wait3A_239 = arith.constant 0 : i32
      %dma_wait3A_240 = tpu.memref_slice %arg4[%add3A_216, %dma_wait3A_239] : memref<327680x16xf32, #tpu.memory_space<hbm>> -> memref<128x16xf32, #tpu.memory_space<hbm>>
      %dma_wait3A_241 = tpu.memref_slice %arg8[%dma_wait3A_234] : memref<2x!tpu.dma_semaphore, #tpu.memory_space<semaphore_mem>> -> memref<1x!tpu.dma_semaphore, #tpu.memory_space<semaphore_mem>>
      %dma_wait3A_242 = tpu.memref_squeeze %dma_wait3A_241 : memref<1x!tpu.dma_semaphore, #tpu.memory_space<semaphore_mem>> -> memref<!tpu.dma_semaphore, #tpu.memory_space<semaphore_mem>>
      %dma_wait3A_243 = arith.constant 0 : i32
      %dma_wait3A_244 = tpu.memref_slice %arg4[%add3A_216, %dma_wait3A_243] : memref<327680x16xf32, #tpu.memory_space<hbm>> -> memref<128x16xf32, #tpu.memory_space<hbm>>
      %dma_wait3A_245 = arith.constant 0 : i32
      %dma_wait3A_246 = arith.constant 0 : i32
      %dma_wait3A_247 = tpu.memref_slice %arg6[%dma_wait3A_233, %dma_wait3A_245, %dma_wait3A_246] : memref<2x128x16xf32, #tpu.memory_space<vmem>> -> memref<1x128x16xf32, #tpu.memory_space<vmem>>
      %dma_wait3A_248 = tpu.memref_squeeze %dma_wait3A_247 : memref<1x128x16xf32, #tpu.memory_space<vmem>> -> memref<128x16xf32, #tpu.memory_space<vmem>>
      tpu.wait_dma2 semaphore(%dma_wait3A_242 : memref<!tpu.dma_semaphore, #tpu.memory_space<semaphore_mem>>) src(%dma_wait3A_248 : memref<128x16xf32, #tpu.memory_space<vmem>>) dst(%dma_wait3A_244 : memref<128x16xf32, #tpu.memory_space<hbm>>)
      %add3A_249 = arith.constant 2 : i32
      %add3A_250 = arith.addi %add3A_199, %add3A_249 : i32
      %mul3A_251 = arith.constant 128 : i32
      %mul3A_252 = arith.muli %add3A_250, %mul3A_251 : i32
      %dma_start3A_253 = arith.constant 1 : i32
      %dma_start3A_254 = arith.constant 1 : i32
      %dma_start3A_255 = arith.constant 0 : i32
      %dma_start3A_256 = arith.constant 0 : i32
      %dma_start3A_257 = tpu.memref_slice %arg6[%dma_start3A_253, %dma_start3A_255, %dma_start3A_256] : memref<2x128x16xf32, #tpu.memory_space<vmem>> -> memref<1x128x16xf32, #tpu.memory_space<vmem>>
      %dma_start3A_258 = tpu.memref_squeeze %dma_start3A_257 : memref<1x128x16xf32, #tpu.memory_space<vmem>> -> memref<128x16xf32, #tpu.memory_space<vmem>>
      %dma_start3A_259 = tpu.memref_slice %arg5[%mul3A_252] : memref<10240xi32, #tpu.memory_space<vmem>> -> memref<128xi32, #tpu.memory_space<vmem>>
      %dma_start3A_260 = arith.constant 0 : i32
      %dma_start3A_261 = arith.constant 0 : i32
      %dma_start3A_262 = tpu.memref_slice %arg2[%dma_start3A_260, %dma_start3A_261] : memref<1600000x16xf32, #tpu.memory_space<hbm>> -> memref<1600000x16xf32, #tpu.memory_space<hbm>>
      %dma_start3A_263 = tpu.memref_slice %arg7[%dma_start3A_254] : memref<2x!tpu.dma_semaphore, #tpu.memory_space<semaphore_mem>> -> memref<1x!tpu.dma_semaphore, #tpu.memory_space<semaphore_mem>>
      %dma_start3A_264 = tpu.memref_squeeze %dma_start3A_263 : memref<1x!tpu.dma_semaphore, #tpu.memory_space<semaphore_mem>> -> memref<!tpu.dma_semaphore, #tpu.memory_space<semaphore_mem>>
      tpu.enqueue_indirect_dma source(%dma_start3A_262 : memref<1600000x16xf32, #tpu.memory_space<hbm>>) target(%dma_start3A_258 : memref<128x16xf32, #tpu.memory_space<vmem>>) offsets(%dma_start3A_259 : memref<128xi32, #tpu.memory_space<vmem>>) semaphore(%dma_start3A_264 : memref<!tpu.dma_semaphore, #tpu.memory_space<semaphore_mem>>)
    }
    %scan3A_32 = arith.constant 39 : i32
    %dma_wait3A = arith.constant 0 : i32
    %dma_wait3A_33 = arith.constant 0 : i32
    %dma_wait3A_34 = arith.constant 0 : i32
    %dma_wait3A_35 = arith.constant 0 : i32
    %dma_wait3A_36 = tpu.memref_slice %arg6[%dma_wait3A, %dma_wait3A_34, %dma_wait3A_35] : memref<2x128x16xf32, #tpu.memory_space<vmem>> -> memref<1x128x16xf32, #tpu.memory_space<vmem>>
    %dma_wait3A_37 = tpu.memref_squeeze %dma_wait3A_36 : memref<1x128x16xf32, #tpu.memory_space<vmem>> -> memref<128x16xf32, #tpu.memory_space<vmem>>
    %dma_wait3A_38 = arith.constant 9984 : i32
    %dma_wait3A_39 = tpu.memref_slice %arg5[%dma_wait3A_38] : memref<10240xi32, #tpu.memory_space<vmem>> -> memref<128xi32, #tpu.memory_space<vmem>>
    %dma_wait3A_40 = arith.constant 0 : i32
    %dma_wait3A_41 = arith.constant 0 : i32
    %dma_wait3A_42 = tpu.memref_slice %arg2[%dma_wait3A_40, %dma_wait3A_41] : memref<1600000x16xf32, #tpu.memory_space<hbm>> -> memref<1600000x16xf32, #tpu.memory_space<hbm>>
    %dma_wait3A_43 = tpu.memref_slice %arg7[%dma_wait3A_33] : memref<2x!tpu.dma_semaphore, #tpu.memory_space<semaphore_mem>> -> memref<1x!tpu.dma_semaphore, #tpu.memory_space<semaphore_mem>>
    %dma_wait3A_44 = tpu.memref_squeeze %dma_wait3A_43 : memref<1x!tpu.dma_semaphore, #tpu.memory_space<semaphore_mem>> -> memref<!tpu.dma_semaphore, #tpu.memory_space<semaphore_mem>>
    tpu.wait_indirect_dma semaphore(%dma_wait3A_44 : memref<!tpu.dma_semaphore, #tpu.memory_space<semaphore_mem>>) src(%dma_wait3A_42 : memref<1600000x16xf32, #tpu.memory_space<hbm>>) dst(%dma_wait3A_37 : memref<128x16xf32, #tpu.memory_space<vmem>>)
    %add3A_45 = arith.constant 9984 : i32
    %add3A_46 = arith.addi %mul3A_2, %add3A_45 : i32
    %dma_start3A_47 = arith.constant 0 : i32
    %dma_start3A_48 = arith.constant 0 : i32
    %dma_start3A_49 = arith.constant 0 : i32
    %dma_start3A_50 = arith.constant 0 : i32
    %dma_start3A_51 = tpu.memref_slice %arg6[%dma_start3A_47, %dma_start3A_49, %dma_start3A_50] : memref<2x128x16xf32, #tpu.memory_space<vmem>> -> memref<1x128x16xf32, #tpu.memory_space<vmem>>
    %dma_start3A_52 = tpu.memref_squeeze %dma_start3A_51 : memref<1x128x16xf32, #tpu.memory_space<vmem>> -> memref<128x16xf32, #tpu.memory_space<vmem>>
    %dma_start3A_53 = arith.constant 0 : i32
    %dma_start3A_54 = tpu.memref_slice %arg4[%add3A_46, %dma_start3A_53] : memref<327680x16xf32, #tpu.memory_space<hbm>> -> memref<128x16xf32, #tpu.memory_space<hbm>>
    %dma_start3A_55 = tpu.memref_slice %arg8[%dma_start3A_48] : memref<2x!tpu.dma_semaphore, #tpu.memory_space<semaphore_mem>> -> memref<1x!tpu.dma_semaphore, #tpu.memory_space<semaphore_mem>>
    %dma_start3A_56 = tpu.memref_squeeze %dma_start3A_55 : memref<1x!tpu.dma_semaphore, #tpu.memory_space<semaphore_mem>> -> memref<!tpu.dma_semaphore, #tpu.memory_space<semaphore_mem>>
    %dma_start3A_57 = arith.constant 0 : i32
    %dma_start3A_58 = tpu.memref_slice %arg4[%add3A_46, %dma_start3A_57] : memref<327680x16xf32, #tpu.memory_space<hbm>> -> memref<128x16xf32, #tpu.memory_space<hbm>>
    %dma_start3A_59 = arith.constant 0 : i32
    %dma_start3A_60 = arith.constant 0 : i32
    %dma_start3A_61 = tpu.memref_slice %arg6[%dma_start3A_47, %dma_start3A_59, %dma_start3A_60] : memref<2x128x16xf32, #tpu.memory_space<vmem>> -> memref<1x128x16xf32, #tpu.memory_space<vmem>>
    %dma_start3A_62 = tpu.memref_squeeze %dma_start3A_61 : memref<1x128x16xf32, #tpu.memory_space<vmem>> -> memref<128x16xf32, #tpu.memory_space<vmem>>
    tpu.enqueue_dma source(%dma_start3A_62 : memref<128x16xf32, #tpu.memory_space<vmem>>) target(%dma_start3A_58 : memref<128x16xf32, #tpu.memory_space<hbm>>) target_semaphore(%dma_start3A_56 : memref<!tpu.dma_semaphore, #tpu.memory_space<semaphore_mem>>)
    %dma_wait3A_63 = arith.constant 0 : i32
    %dma_wait3A_64 = arith.constant 0 : i32
    %dma_wait3A_65 = arith.constant 0 : i32
    %dma_wait3A_66 = arith.constant 0 : i32
    %dma_wait3A_67 = tpu.memref_slice %arg6[%dma_wait3A_63, %dma_wait3A_65, %dma_wait3A_66] : memref<2x128x16xf32, #tpu.memory_space<vmem>> -> memref<1x128x16xf32, #tpu.memory_space<vmem>>
    %dma_wait3A_68 = tpu.memref_squeeze %dma_wait3A_67 : memref<1x128x16xf32, #tpu.memory_space<vmem>> -> memref<128x16xf32, #tpu.memory_space<vmem>>
    %dma_wait3A_69 = arith.constant 0 : i32
    %dma_wait3A_70 = tpu.memref_slice %arg4[%add3A_46, %dma_wait3A_69] : memref<327680x16xf32, #tpu.memory_space<hbm>> -> memref<128x16xf32, #tpu.memory_space<hbm>>
    %dma_wait3A_71 = tpu.memref_slice %arg8[%dma_wait3A_64] : memref<2x!tpu.dma_semaphore, #tpu.memory_space<semaphore_mem>> -> memref<1x!tpu.dma_semaphore, #tpu.memory_space<semaphore_mem>>
    %dma_wait3A_72 = tpu.memref_squeeze %dma_wait3A_71 : memref<1x!tpu.dma_semaphore, #tpu.memory_space<semaphore_mem>> -> memref<!tpu.dma_semaphore, #tpu.memory_space<semaphore_mem>>
    %dma_wait3A_73 = arith.constant 0 : i32
    %dma_wait3A_74 = tpu.memref_slice %arg4[%add3A_46, %dma_wait3A_73] : memref<327680x16xf32, #tpu.memory_space<hbm>> -> memref<128x16xf32, #tpu.memory_space<hbm>>
    %dma_wait3A_75 = arith.constant 0 : i32
    %dma_wait3A_76 = arith.constant 0 : i32
    %dma_wait3A_77 = tpu.memref_slice %arg6[%dma_wait3A_63, %dma_wait3A_75, %dma_wait3A_76] : memref<2x128x16xf32, #tpu.memory_space<vmem>> -> memref<1x128x16xf32, #tpu.memory_space<vmem>>
    %dma_wait3A_78 = tpu.memref_squeeze %dma_wait3A_77 : memref<1x128x16xf32, #tpu.memory_space<vmem>> -> memref<128x16xf32, #tpu.memory_space<vmem>>
    tpu.wait_dma2 semaphore(%dma_wait3A_72 : memref<!tpu.dma_semaphore, #tpu.memory_space<semaphore_mem>>) src(%dma_wait3A_78 : memref<128x16xf32, #tpu.memory_space<vmem>>) dst(%dma_wait3A_74 : memref<128x16xf32, #tpu.memory_space<hbm>>)
    %dma_wait3A_79 = arith.constant 1 : i32
    %dma_wait3A_80 = arith.constant 1 : i32
    %dma_wait3A_81 = arith.constant 0 : i32
    %dma_wait3A_82 = arith.constant 0 : i32
    %dma_wait3A_83 = tpu.memref_slice %arg6[%dma_wait3A_79, %dma_wait3A_81, %dma_wait3A_82] : memref<2x128x16xf32, #tpu.memory_space<vmem>> -> memref<1x128x16xf32, #tpu.memory_space<vmem>>
    %dma_wait3A_84 = tpu.memref_squeeze %dma_wait3A_83 : memref<1x128x16xf32, #tpu.memory_space<vmem>> -> memref<128x16xf32, #tpu.memory_space<vmem>>
    %dma_wait3A_85 = arith.constant 10112 : i32
    %dma_wait3A_86 = tpu.memref_slice %arg5[%dma_wait3A_85] : memref<10240xi32, #tpu.memory_space<vmem>> -> memref<128xi32, #tpu.memory_space<vmem>>
    %dma_wait3A_87 = arith.constant 0 : i32
    %dma_wait3A_88 = arith.constant 0 : i32
    %dma_wait3A_89 = tpu.memref_slice %arg2[%dma_wait3A_87, %dma_wait3A_88] : memref<1600000x16xf32, #tpu.memory_space<hbm>> -> memref<1600000x16xf32, #tpu.memory_space<hbm>>
    %dma_wait3A_90 = tpu.memref_slice %arg7[%dma_wait3A_80] : memref<2x!tpu.dma_semaphore, #tpu.memory_space<semaphore_mem>> -> memref<1x!tpu.dma_semaphore, #tpu.memory_space<semaphore_mem>>
    %dma_wait3A_91 = tpu.memref_squeeze %dma_wait3A_90 : memref<1x!tpu.dma_semaphore, #tpu.memory_space<semaphore_mem>> -> memref<!tpu.dma_semaphore, #tpu.memory_space<semaphore_mem>>
    tpu.wait_indirect_dma semaphore(%dma_wait3A_91 : memref<!tpu.dma_semaphore, #tpu.memory_space<semaphore_mem>>) src(%dma_wait3A_89 : memref<1600000x16xf32, #tpu.memory_space<hbm>>) dst(%dma_wait3A_84 : memref<128x16xf32, #tpu.memory_space<vmem>>)
    %add3A_92 = arith.constant 10112 : i32
    %add3A_93 = arith.addi %mul3A_2, %add3A_92 : i32
    %dma_start3A_94 = arith.constant 1 : i32
    %dma_start3A_95 = arith.constant 1 : i32
    %dma_start3A_96 = arith.constant 0 : i32
    %dma_start3A_97 = arith.constant 0 : i32
    %dma_start3A_98 = tpu.memref_slice %arg6[%dma_start3A_94, %dma_start3A_96, %dma_start3A_97] : memref<2x128x16xf32, #tpu.memory_space<vmem>> -> memref<1x128x16xf32, #tpu.memory_space<vmem>>
    %dma_start3A_99 = tpu.memref_squeeze %dma_start3A_98 : memref<1x128x16xf32, #tpu.memory_space<vmem>> -> memref<128x16xf32, #tpu.memory_space<vmem>>
    %dma_start3A_100 = arith.constant 0 : i32
    %dma_start3A_101 = tpu.memref_slice %arg4[%add3A_93, %dma_start3A_100] : memref<327680x16xf32, #tpu.memory_space<hbm>> -> memref<128x16xf32, #tpu.memory_space<hbm>>
    %dma_start3A_102 = tpu.memref_slice %arg8[%dma_start3A_95] : memref<2x!tpu.dma_semaphore, #tpu.memory_space<semaphore_mem>> -> memref<1x!tpu.dma_semaphore, #tpu.memory_space<semaphore_mem>>
    %dma_start3A_103 = tpu.memref_squeeze %dma_start3A_102 : memref<1x!tpu.dma_semaphore, #tpu.memory_space<semaphore_mem>> -> memref<!tpu.dma_semaphore, #tpu.memory_space<semaphore_mem>>
    %dma_start3A_104 = arith.constant 0 : i32
    %dma_start3A_105 = tpu.memref_slice %arg4[%add3A_93, %dma_start3A_104] : memref<327680x16xf32, #tpu.memory_space<hbm>> -> memref<128x16xf32, #tpu.memory_space<hbm>>
    %dma_start3A_106 = arith.constant 0 : i32
    %dma_start3A_107 = arith.constant 0 : i32
    %dma_start3A_108 = tpu.memref_slice %arg6[%dma_start3A_94, %dma_start3A_106, %dma_start3A_107] : memref<2x128x16xf32, #tpu.memory_space<vmem>> -> memref<1x128x16xf32, #tpu.memory_space<vmem>>
    %dma_start3A_109 = tpu.memref_squeeze %dma_start3A_108 : memref<1x128x16xf32, #tpu.memory_space<vmem>> -> memref<128x16xf32, #tpu.memory_space<vmem>>
    tpu.enqueue_dma source(%dma_start3A_109 : memref<128x16xf32, #tpu.memory_space<vmem>>) target(%dma_start3A_105 : memref<128x16xf32, #tpu.memory_space<hbm>>) target_semaphore(%dma_start3A_103 : memref<!tpu.dma_semaphore, #tpu.memory_space<semaphore_mem>>)
    %dma_wait3A_110 = arith.constant 1 : i32
    %dma_wait3A_111 = arith.constant 1 : i32
    %dma_wait3A_112 = arith.constant 0 : i32
    %dma_wait3A_113 = arith.constant 0 : i32
    %dma_wait3A_114 = tpu.memref_slice %arg6[%dma_wait3A_110, %dma_wait3A_112, %dma_wait3A_113] : memref<2x128x16xf32, #tpu.memory_space<vmem>> -> memref<1x128x16xf32, #tpu.memory_space<vmem>>
    %dma_wait3A_115 = tpu.memref_squeeze %dma_wait3A_114 : memref<1x128x16xf32, #tpu.memory_space<vmem>> -> memref<128x16xf32, #tpu.memory_space<vmem>>
    %dma_wait3A_116 = arith.constant 0 : i32
    %dma_wait3A_117 = tpu.memref_slice %arg4[%add3A_93, %dma_wait3A_116] : memref<327680x16xf32, #tpu.memory_space<hbm>> -> memref<128x16xf32, #tpu.memory_space<hbm>>
    %dma_wait3A_118 = tpu.memref_slice %arg8[%dma_wait3A_111] : memref<2x!tpu.dma_semaphore, #tpu.memory_space<semaphore_mem>> -> memref<1x!tpu.dma_semaphore, #tpu.memory_space<semaphore_mem>>
    %dma_wait3A_119 = tpu.memref_squeeze %dma_wait3A_118 : memref<1x!tpu.dma_semaphore, #tpu.memory_space<semaphore_mem>> -> memref<!tpu.dma_semaphore, #tpu.memory_space<semaphore_mem>>
    %dma_wait3A_120 = arith.constant 0 : i32
    %dma_wait3A_121 = tpu.memref_slice %arg4[%add3A_93, %dma_wait3A_120] : memref<327680x16xf32, #tpu.memory_space<hbm>> -> memref<128x16xf32, #tpu.memory_space<hbm>>
    %dma_wait3A_122 = arith.constant 0 : i32
    %dma_wait3A_123 = arith.constant 0 : i32
    %dma_wait3A_124 = tpu.memref_slice %arg6[%dma_wait3A_110, %dma_wait3A_122, %dma_wait3A_123] : memref<2x128x16xf32, #tpu.memory_space<vmem>> -> memref<1x128x16xf32, #tpu.memory_space<vmem>>
    %dma_wait3A_125 = tpu.memref_squeeze %dma_wait3A_124 : memref<1x128x16xf32, #tpu.memory_space<vmem>> -> memref<128x16xf32, #tpu.memory_space<vmem>>
    tpu.wait_dma2 semaphore(%dma_wait3A_119 : memref<!tpu.dma_semaphore, #tpu.memory_space<semaphore_mem>>) src(%dma_wait3A_125 : memref<128x16xf32, #tpu.memory_space<vmem>>) dst(%dma_wait3A_121 : memref<128x16xf32, #tpu.memory_space<hbm>>)
    return
  }
}

#map = affine_map<(d0, d1) -> (0, 0)>
#map1 = affine_map<(d0, d1) -> (0)>
module attributes {stable_mosaic.version = 14 : i64} {
  func.func @sc_mem_gather(%arg0: i32, %arg1: i32, %arg2: memref<100000x128xf32, #tpu.memory_space<hbm>>, %arg3: memref<327680xi32, #tpu.memory_space<hbm>>, %arg4: memref<16384xi32, #tpu.memory_space<hbm>>, %arg5: memref<327680x128xf32, #tpu.memory_space<hbm>>, %arg6: memref<16384x128xf32, #tpu.memory_space<hbm>>, %arg7: memref<10240xi32, #tpu.memory_space<vmem>>, %arg8: memref<2x128x128xf32, #tpu.memory_space<vmem>>, %arg9: memref<2x!tpu.dma_semaphore, #tpu.memory_space<semaphore_mem>>, %arg10: memref<2x!tpu.dma_semaphore, #tpu.memory_space<semaphore_mem>>) attributes {dimension_semantics = [#tpu.dimension_semantics<core_parallel>, #tpu.dimension_semantics<subcore_parallel>], iteration_bounds = array<i64: 2, 16>, scalar_prefetch = 0 : i64, scratch_operands = 4 : i64, tpu.core_type = #tpu.core_type<sc_vector_subcore>, window_params = [{transform_indices = #map}, {transform_indices = #map1}, {transform_indices = #map1}, {transform_indices = #map}, {transform_indices = #map}]} {
    %mul3A = arith.constant 2 : i32
    %mul3A_0 = arith.muli %arg1, %mul3A : i32
    %add3A = arith.addi %mul3A_0, %arg0 : i32
    %mul3A_1 = arith.constant 10240 : i32
    %mul3A_2 = arith.muli %add3A, %mul3A_1 : i32
    "tpu.region"() ({
      %run_scoped3A = tpu.sem_alloc : memref<!tpu.dma_semaphore, #tpu.memory_space<semaphore_mem>>
      %dma_start3A_134 = tpu.memref_slice %arg3[%mul3A_2] : memref<327680xi32, #tpu.memory_space<hbm>> -> memref<10240xi32, #tpu.memory_space<hbm>>
      %dma_start3A_135 = tpu.memref_slice %arg3[%mul3A_2] : memref<327680xi32, #tpu.memory_space<hbm>> -> memref<10240xi32, #tpu.memory_space<hbm>>
      tpu.enqueue_dma source(%dma_start3A_135 : memref<10240xi32, #tpu.memory_space<hbm>>) target(%arg7 : memref<10240xi32, #tpu.memory_space<vmem>>) target_semaphore(%run_scoped3A : memref<!tpu.dma_semaphore, #tpu.memory_space<semaphore_mem>>)
      %dma_wait3A_136 = tpu.memref_slice %arg3[%mul3A_2] : memref<327680xi32, #tpu.memory_space<hbm>> -> memref<10240xi32, #tpu.memory_space<hbm>>
      %dma_wait3A_137 = tpu.memref_slice %arg3[%mul3A_2] : memref<327680xi32, #tpu.memory_space<hbm>> -> memref<10240xi32, #tpu.memory_space<hbm>>
      tpu.wait_dma2 semaphore(%run_scoped3A : memref<!tpu.dma_semaphore, #tpu.memory_space<semaphore_mem>>) src(%dma_wait3A_137 : memref<10240xi32, #tpu.memory_space<hbm>>) dst(%arg7 : memref<10240xi32, #tpu.memory_space<vmem>>)
      tpu.yield
    }) : () -> ()
    %dma_start3A = arith.constant 0 : i32
    %dma_start3A_3 = arith.constant 0 : i32
    %dma_start3A_4 = arith.constant 0 : i32
    %dma_start3A_5 = arith.constant 0 : i32
    %dma_start3A_6 = tpu.memref_slice %arg8[%dma_start3A, %dma_start3A_4, %dma_start3A_5] : memref<2x128x128xf32, #tpu.memory_space<vmem>> -> memref<1x128x128xf32, #tpu.memory_space<vmem>>
    %dma_start3A_7 = tpu.memref_squeeze %dma_start3A_6 : memref<1x128x128xf32, #tpu.memory_space<vmem>> -> memref<128x128xf32, #tpu.memory_space<vmem>>
    %dma_start3A_8 = arith.constant 0 : i32
    %dma_start3A_9 = tpu.memref_slice %arg7[%dma_start3A_8] : memref<10240xi32, #tpu.memory_space<vmem>> -> memref<128xi32, #tpu.memory_space<vmem>>
    %dma_start3A_10 = arith.constant 0 : i32
    %dma_start3A_11 = arith.constant 0 : i32
    %dma_start3A_12 = tpu.memref_slice %arg2[%dma_start3A_10, %dma_start3A_11] : memref<100000x128xf32, #tpu.memory_space<hbm>> -> memref<100000x128xf32, #tpu.memory_space<hbm>>
    %dma_start3A_13 = tpu.memref_slice %arg9[%dma_start3A_3] : memref<2x!tpu.dma_semaphore, #tpu.memory_space<semaphore_mem>> -> memref<1x!tpu.dma_semaphore, #tpu.memory_space<semaphore_mem>>
    %dma_start3A_14 = tpu.memref_squeeze %dma_start3A_13 : memref<1x!tpu.dma_semaphore, #tpu.memory_space<semaphore_mem>> -> memref<!tpu.dma_semaphore, #tpu.memory_space<semaphore_mem>>
    tpu.enqueue_indirect_dma source(%dma_start3A_12 : memref<100000x128xf32, #tpu.memory_space<hbm>>) target(%dma_start3A_7 : memref<128x128xf32, #tpu.memory_space<vmem>>) offsets(%dma_start3A_9 : memref<128xi32, #tpu.memory_space<vmem>>) semaphore(%dma_start3A_14 : memref<!tpu.dma_semaphore, #tpu.memory_space<semaphore_mem>>)
    %dma_start3A_15 = arith.constant 1 : i32
    %dma_start3A_16 = arith.constant 1 : i32
    %dma_start3A_17 = arith.constant 0 : i32
    %dma_start3A_18 = arith.constant 0 : i32
    %dma_start3A_19 = tpu.memref_slice %arg8[%dma_start3A_15, %dma_start3A_17, %dma_start3A_18] : memref<2x128x128xf32, #tpu.memory_space<vmem>> -> memref<1x128x128xf32, #tpu.memory_space<vmem>>
    %dma_start3A_20 = tpu.memref_squeeze %dma_start3A_19 : memref<1x128x128xf32, #tpu.memory_space<vmem>> -> memref<128x128xf32, #tpu.memory_space<vmem>>
    %dma_start3A_21 = arith.constant 128 : i32
    %dma_start3A_22 = tpu.memref_slice %arg7[%dma_start3A_21] : memref<10240xi32, #tpu.memory_space<vmem>> -> memref<128xi32, #tpu.memory_space<vmem>>
    %dma_start3A_23 = arith.constant 0 : i32
    %dma_start3A_24 = arith.constant 0 : i32
    %dma_start3A_25 = tpu.memref_slice %arg2[%dma_start3A_23, %dma_start3A_24] : memref<100000x128xf32, #tpu.memory_space<hbm>> -> memref<100000x128xf32, #tpu.memory_space<hbm>>
    %dma_start3A_26 = tpu.memref_slice %arg9[%dma_start3A_16] : memref<2x!tpu.dma_semaphore, #tpu.memory_space<semaphore_mem>> -> memref<1x!tpu.dma_semaphore, #tpu.memory_space<semaphore_mem>>
    %dma_start3A_27 = tpu.memref_squeeze %dma_start3A_26 : memref<1x!tpu.dma_semaphore, #tpu.memory_space<semaphore_mem>> -> memref<!tpu.dma_semaphore, #tpu.memory_space<semaphore_mem>>
    tpu.enqueue_indirect_dma source(%dma_start3A_25 : memref<100000x128xf32, #tpu.memory_space<hbm>>) target(%dma_start3A_20 : memref<128x128xf32, #tpu.memory_space<vmem>>) offsets(%dma_start3A_22 : memref<128xi32, #tpu.memory_space<vmem>>) semaphore(%dma_start3A_27 : memref<!tpu.dma_semaphore, #tpu.memory_space<semaphore_mem>>)
    %scan3A = arith.constant 0 : i32
    %scan3A_28 = arith.constant 0 : i32
    %scan3A_29 = arith.constant 39 : i32
    %scan3A_30 = arith.addi %scan3A_28, %scan3A_29 : i32
    %scan3A_31 = arith.constant 1 : i32
    scf.for %scan3A_134 = %scan3A_28 to %scan3A_30 step %scan3A_31  : i32 {
      %mul3A_135 = arith.constant 2 : i32
      %mul3A_136 = arith.muli %mul3A_135, %scan3A_134 : i32
      %add3A_137 = arith.constant 0 : i32
      %add3A_138 = arith.addi %mul3A_136, %add3A_137 : i32
      %mul3A_139 = arith.constant 128 : i32
      %mul3A_140 = arith.muli %add3A_138, %mul3A_139 : i32
      %dma_wait3A_141 = arith.constant 0 : i32
      %dma_wait3A_142 = arith.constant 0 : i32
      %dma_wait3A_143 = arith.constant 0 : i32
      %dma_wait3A_144 = arith.constant 0 : i32
      %dma_wait3A_145 = tpu.memref_slice %arg8[%dma_wait3A_141, %dma_wait3A_143, %dma_wait3A_144] : memref<2x128x128xf32, #tpu.memory_space<vmem>> -> memref<1x128x128xf32, #tpu.memory_space<vmem>>
      %dma_wait3A_146 = tpu.memref_squeeze %dma_wait3A_145 : memref<1x128x128xf32, #tpu.memory_space<vmem>> -> memref<128x128xf32, #tpu.memory_space<vmem>>
      %dma_wait3A_147 = tpu.memref_slice %arg7[%mul3A_140] : memref<10240xi32, #tpu.memory_space<vmem>> -> memref<128xi32, #tpu.memory_space<vmem>>
      %dma_wait3A_148 = arith.constant 0 : i32
      %dma_wait3A_149 = arith.constant 0 : i32
      %dma_wait3A_150 = tpu.memref_slice %arg2[%dma_wait3A_148, %dma_wait3A_149] : memref<100000x128xf32, #tpu.memory_space<hbm>> -> memref<100000x128xf32, #tpu.memory_space<hbm>>
      %dma_wait3A_151 = tpu.memref_slice %arg9[%dma_wait3A_142] : memref<2x!tpu.dma_semaphore, #tpu.memory_space<semaphore_mem>> -> memref<1x!tpu.dma_semaphore, #tpu.memory_space<semaphore_mem>>
      %dma_wait3A_152 = tpu.memref_squeeze %dma_wait3A_151 : memref<1x!tpu.dma_semaphore, #tpu.memory_space<semaphore_mem>> -> memref<!tpu.dma_semaphore, #tpu.memory_space<semaphore_mem>>
      tpu.wait_indirect_dma semaphore(%dma_wait3A_152 : memref<!tpu.dma_semaphore, #tpu.memory_space<semaphore_mem>>) src(%dma_wait3A_150 : memref<100000x128xf32, #tpu.memory_space<hbm>>) dst(%dma_wait3A_146 : memref<128x128xf32, #tpu.memory_space<vmem>>)
      %mul3A_153 = arith.constant 128 : i32
      %mul3A_154 = arith.muli %add3A_138, %mul3A_153 : i32
      %add3A_155 = arith.addi %mul3A_2, %mul3A_154 : i32
      %dma_start3A_156 = arith.constant 0 : i32
      %dma_start3A_157 = arith.constant 0 : i32
      %dma_start3A_158 = arith.constant 0 : i32
      %dma_start3A_159 = arith.constant 0 : i32
      %dma_start3A_160 = tpu.memref_slice %arg8[%dma_start3A_156, %dma_start3A_158, %dma_start3A_159] : memref<2x128x128xf32, #tpu.memory_space<vmem>> -> memref<1x128x128xf32, #tpu.memory_space<vmem>>
      %dma_start3A_161 = tpu.memref_squeeze %dma_start3A_160 : memref<1x128x128xf32, #tpu.memory_space<vmem>> -> memref<128x128xf32, #tpu.memory_space<vmem>>
      %dma_start3A_162 = arith.constant 0 : i32
      %dma_start3A_163 = tpu.memref_slice %arg5[%add3A_155, %dma_start3A_162] : memref<327680x128xf32, #tpu.memory_space<hbm>> -> memref<128x128xf32, #tpu.memory_space<hbm>>
      %dma_start3A_164 = tpu.memref_slice %arg10[%dma_start3A_157] : memref<2x!tpu.dma_semaphore, #tpu.memory_space<semaphore_mem>> -> memref<1x!tpu.dma_semaphore, #tpu.memory_space<semaphore_mem>>
      %dma_start3A_165 = tpu.memref_squeeze %dma_start3A_164 : memref<1x!tpu.dma_semaphore, #tpu.memory_space<semaphore_mem>> -> memref<!tpu.dma_semaphore, #tpu.memory_space<semaphore_mem>>
      %dma_start3A_166 = arith.constant 0 : i32
      %dma_start3A_167 = tpu.memref_slice %arg5[%add3A_155, %dma_start3A_166] : memref<327680x128xf32, #tpu.memory_space<hbm>> -> memref<128x128xf32, #tpu.memory_space<hbm>>
      %dma_start3A_168 = arith.constant 0 : i32
      %dma_start3A_169 = arith.constant 0 : i32
      %dma_start3A_170 = tpu.memref_slice %arg8[%dma_start3A_156, %dma_start3A_168, %dma_start3A_169] : memref<2x128x128xf32, #tpu.memory_space<vmem>> -> memref<1x128x128xf32, #tpu.memory_space<vmem>>
      %dma_start3A_171 = tpu.memref_squeeze %dma_start3A_170 : memref<1x128x128xf32, #tpu.memory_space<vmem>> -> memref<128x128xf32, #tpu.memory_space<vmem>>
      tpu.enqueue_dma source(%dma_start3A_171 : memref<128x128xf32, #tpu.memory_space<vmem>>) target(%dma_start3A_167 : memref<128x128xf32, #tpu.memory_space<hbm>>) target_semaphore(%dma_start3A_165 : memref<!tpu.dma_semaphore, #tpu.memory_space<semaphore_mem>>)
      %dma_wait3A_172 = arith.constant 0 : i32
      %dma_wait3A_173 = arith.constant 0 : i32
      %dma_wait3A_174 = arith.constant 0 : i32
      %dma_wait3A_175 = arith.constant 0 : i32
      %dma_wait3A_176 = tpu.memref_slice %arg8[%dma_wait3A_172, %dma_wait3A_174, %dma_wait3A_175] : memref<2x128x128xf32, #tpu.memory_space<vmem>> -> memref<1x128x128xf32, #tpu.memory_space<vmem>>
      %dma_wait3A_177 = tpu.memref_squeeze %dma_wait3A_176 : memref<1x128x128xf32, #tpu.memory_space<vmem>> -> memref<128x128xf32, #tpu.memory_space<vmem>>
      %dma_wait3A_178 = arith.constant 0 : i32
      %dma_wait3A_179 = tpu.memref_slice %arg5[%add3A_155, %dma_wait3A_178] : memref<327680x128xf32, #tpu.memory_space<hbm>> -> memref<128x128xf32, #tpu.memory_space<hbm>>
      %dma_wait3A_180 = tpu.memref_slice %arg10[%dma_wait3A_173] : memref<2x!tpu.dma_semaphore, #tpu.memory_space<semaphore_mem>> -> memref<1x!tpu.dma_semaphore, #tpu.memory_space<semaphore_mem>>
      %dma_wait3A_181 = tpu.memref_squeeze %dma_wait3A_180 : memref<1x!tpu.dma_semaphore, #tpu.memory_space<semaphore_mem>> -> memref<!tpu.dma_semaphore, #tpu.memory_space<semaphore_mem>>
      %dma_wait3A_182 = arith.constant 0 : i32
      %dma_wait3A_183 = tpu.memref_slice %arg5[%add3A_155, %dma_wait3A_182] : memref<327680x128xf32, #tpu.memory_space<hbm>> -> memref<128x128xf32, #tpu.memory_space<hbm>>
      %dma_wait3A_184 = arith.constant 0 : i32
      %dma_wait3A_185 = arith.constant 0 : i32
      %dma_wait3A_186 = tpu.memref_slice %arg8[%dma_wait3A_172, %dma_wait3A_184, %dma_wait3A_185] : memref<2x128x128xf32, #tpu.memory_space<vmem>> -> memref<1x128x128xf32, #tpu.memory_space<vmem>>
      %dma_wait3A_187 = tpu.memref_squeeze %dma_wait3A_186 : memref<1x128x128xf32, #tpu.memory_space<vmem>> -> memref<128x128xf32, #tpu.memory_space<vmem>>
      tpu.wait_dma2 semaphore(%dma_wait3A_181 : memref<!tpu.dma_semaphore, #tpu.memory_space<semaphore_mem>>) src(%dma_wait3A_187 : memref<128x128xf32, #tpu.memory_space<vmem>>) dst(%dma_wait3A_183 : memref<128x128xf32, #tpu.memory_space<hbm>>)
      %add3A_188 = arith.constant 2 : i32
      %add3A_189 = arith.addi %add3A_138, %add3A_188 : i32
      %mul3A_190 = arith.constant 128 : i32
      %mul3A_191 = arith.muli %add3A_189, %mul3A_190 : i32
      %dma_start3A_192 = arith.constant 0 : i32
      %dma_start3A_193 = arith.constant 0 : i32
      %dma_start3A_194 = arith.constant 0 : i32
      %dma_start3A_195 = arith.constant 0 : i32
      %dma_start3A_196 = tpu.memref_slice %arg8[%dma_start3A_192, %dma_start3A_194, %dma_start3A_195] : memref<2x128x128xf32, #tpu.memory_space<vmem>> -> memref<1x128x128xf32, #tpu.memory_space<vmem>>
      %dma_start3A_197 = tpu.memref_squeeze %dma_start3A_196 : memref<1x128x128xf32, #tpu.memory_space<vmem>> -> memref<128x128xf32, #tpu.memory_space<vmem>>
      %dma_start3A_198 = tpu.memref_slice %arg7[%mul3A_191] : memref<10240xi32, #tpu.memory_space<vmem>> -> memref<128xi32, #tpu.memory_space<vmem>>
      %dma_start3A_199 = arith.constant 0 : i32
      %dma_start3A_200 = arith.constant 0 : i32
      %dma_start3A_201 = tpu.memref_slice %arg2[%dma_start3A_199, %dma_start3A_200] : memref<100000x128xf32, #tpu.memory_space<hbm>> -> memref<100000x128xf32, #tpu.memory_space<hbm>>
      %dma_start3A_202 = tpu.memref_slice %arg9[%dma_start3A_193] : memref<2x!tpu.dma_semaphore, #tpu.memory_space<semaphore_mem>> -> memref<1x!tpu.dma_semaphore, #tpu.memory_space<semaphore_mem>>
      %dma_start3A_203 = tpu.memref_squeeze %dma_start3A_202 : memref<1x!tpu.dma_semaphore, #tpu.memory_space<semaphore_mem>> -> memref<!tpu.dma_semaphore, #tpu.memory_space<semaphore_mem>>
      tpu.enqueue_indirect_dma source(%dma_start3A_201 : memref<100000x128xf32, #tpu.memory_space<hbm>>) target(%dma_start3A_197 : memref<128x128xf32, #tpu.memory_space<vmem>>) offsets(%dma_start3A_198 : memref<128xi32, #tpu.memory_space<vmem>>) semaphore(%dma_start3A_203 : memref<!tpu.dma_semaphore, #tpu.memory_space<semaphore_mem>>)
      %mul3A_204 = arith.constant 2 : i32
      %mul3A_205 = arith.muli %mul3A_204, %scan3A_134 : i32
      %add3A_206 = arith.constant 1 : i32
      %add3A_207 = arith.addi %mul3A_205, %add3A_206 : i32
      %mul3A_208 = arith.constant 128 : i32
      %mul3A_209 = arith.muli %add3A_207, %mul3A_208 : i32
      %dma_wait3A_210 = arith.constant 1 : i32
      %dma_wait3A_211 = arith.constant 1 : i32
      %dma_wait3A_212 = arith.constant 0 : i32
      %dma_wait3A_213 = arith.constant 0 : i32
      %dma_wait3A_214 = tpu.memref_slice %arg8[%dma_wait3A_210, %dma_wait3A_212, %dma_wait3A_213] : memref<2x128x128xf32, #tpu.memory_space<vmem>> -> memref<1x128x128xf32, #tpu.memory_space<vmem>>
      %dma_wait3A_215 = tpu.memref_squeeze %dma_wait3A_214 : memref<1x128x128xf32, #tpu.memory_space<vmem>> -> memref<128x128xf32, #tpu.memory_space<vmem>>
      %dma_wait3A_216 = tpu.memref_slice %arg7[%mul3A_209] : memref<10240xi32, #tpu.memory_space<vmem>> -> memref<128xi32, #tpu.memory_space<vmem>>
      %dma_wait3A_217 = arith.constant 0 : i32
      %dma_wait3A_218 = arith.constant 0 : i32
      %dma_wait3A_219 = tpu.memref_slice %arg2[%dma_wait3A_217, %dma_wait3A_218] : memref<100000x128xf32, #tpu.memory_space<hbm>> -> memref<100000x128xf32, #tpu.memory_space<hbm>>
      %dma_wait3A_220 = tpu.memref_slice %arg9[%dma_wait3A_211] : memref<2x!tpu.dma_semaphore, #tpu.memory_space<semaphore_mem>> -> memref<1x!tpu.dma_semaphore, #tpu.memory_space<semaphore_mem>>
      %dma_wait3A_221 = tpu.memref_squeeze %dma_wait3A_220 : memref<1x!tpu.dma_semaphore, #tpu.memory_space<semaphore_mem>> -> memref<!tpu.dma_semaphore, #tpu.memory_space<semaphore_mem>>
      tpu.wait_indirect_dma semaphore(%dma_wait3A_221 : memref<!tpu.dma_semaphore, #tpu.memory_space<semaphore_mem>>) src(%dma_wait3A_219 : memref<100000x128xf32, #tpu.memory_space<hbm>>) dst(%dma_wait3A_215 : memref<128x128xf32, #tpu.memory_space<vmem>>)
      %mul3A_222 = arith.constant 128 : i32
      %mul3A_223 = arith.muli %add3A_207, %mul3A_222 : i32
      %add3A_224 = arith.addi %mul3A_2, %mul3A_223 : i32
      %dma_start3A_225 = arith.constant 1 : i32
      %dma_start3A_226 = arith.constant 1 : i32
      %dma_start3A_227 = arith.constant 0 : i32
      %dma_start3A_228 = arith.constant 0 : i32
      %dma_start3A_229 = tpu.memref_slice %arg8[%dma_start3A_225, %dma_start3A_227, %dma_start3A_228] : memref<2x128x128xf32, #tpu.memory_space<vmem>> -> memref<1x128x128xf32, #tpu.memory_space<vmem>>
      %dma_start3A_230 = tpu.memref_squeeze %dma_start3A_229 : memref<1x128x128xf32, #tpu.memory_space<vmem>> -> memref<128x128xf32, #tpu.memory_space<vmem>>
      %dma_start3A_231 = arith.constant 0 : i32
      %dma_start3A_232 = tpu.memref_slice %arg5[%add3A_224, %dma_start3A_231] : memref<327680x128xf32, #tpu.memory_space<hbm>> -> memref<128x128xf32, #tpu.memory_space<hbm>>
      %dma_start3A_233 = tpu.memref_slice %arg10[%dma_start3A_226] : memref<2x!tpu.dma_semaphore, #tpu.memory_space<semaphore_mem>> -> memref<1x!tpu.dma_semaphore, #tpu.memory_space<semaphore_mem>>
      %dma_start3A_234 = tpu.memref_squeeze %dma_start3A_233 : memref<1x!tpu.dma_semaphore, #tpu.memory_space<semaphore_mem>> -> memref<!tpu.dma_semaphore, #tpu.memory_space<semaphore_mem>>
      %dma_start3A_235 = arith.constant 0 : i32
      %dma_start3A_236 = tpu.memref_slice %arg5[%add3A_224, %dma_start3A_235] : memref<327680x128xf32, #tpu.memory_space<hbm>> -> memref<128x128xf32, #tpu.memory_space<hbm>>
      %dma_start3A_237 = arith.constant 0 : i32
      %dma_start3A_238 = arith.constant 0 : i32
      %dma_start3A_239 = tpu.memref_slice %arg8[%dma_start3A_225, %dma_start3A_237, %dma_start3A_238] : memref<2x128x128xf32, #tpu.memory_space<vmem>> -> memref<1x128x128xf32, #tpu.memory_space<vmem>>
      %dma_start3A_240 = tpu.memref_squeeze %dma_start3A_239 : memref<1x128x128xf32, #tpu.memory_space<vmem>> -> memref<128x128xf32, #tpu.memory_space<vmem>>
      tpu.enqueue_dma source(%dma_start3A_240 : memref<128x128xf32, #tpu.memory_space<vmem>>) target(%dma_start3A_236 : memref<128x128xf32, #tpu.memory_space<hbm>>) target_semaphore(%dma_start3A_234 : memref<!tpu.dma_semaphore, #tpu.memory_space<semaphore_mem>>)
      %dma_wait3A_241 = arith.constant 1 : i32
      %dma_wait3A_242 = arith.constant 1 : i32
      %dma_wait3A_243 = arith.constant 0 : i32
      %dma_wait3A_244 = arith.constant 0 : i32
      %dma_wait3A_245 = tpu.memref_slice %arg8[%dma_wait3A_241, %dma_wait3A_243, %dma_wait3A_244] : memref<2x128x128xf32, #tpu.memory_space<vmem>> -> memref<1x128x128xf32, #tpu.memory_space<vmem>>
      %dma_wait3A_246 = tpu.memref_squeeze %dma_wait3A_245 : memref<1x128x128xf32, #tpu.memory_space<vmem>> -> memref<128x128xf32, #tpu.memory_space<vmem>>
      %dma_wait3A_247 = arith.constant 0 : i32
      %dma_wait3A_248 = tpu.memref_slice %arg5[%add3A_224, %dma_wait3A_247] : memref<327680x128xf32, #tpu.memory_space<hbm>> -> memref<128x128xf32, #tpu.memory_space<hbm>>
      %dma_wait3A_249 = tpu.memref_slice %arg10[%dma_wait3A_242] : memref<2x!tpu.dma_semaphore, #tpu.memory_space<semaphore_mem>> -> memref<1x!tpu.dma_semaphore, #tpu.memory_space<semaphore_mem>>
      %dma_wait3A_250 = tpu.memref_squeeze %dma_wait3A_249 : memref<1x!tpu.dma_semaphore, #tpu.memory_space<semaphore_mem>> -> memref<!tpu.dma_semaphore, #tpu.memory_space<semaphore_mem>>
      %dma_wait3A_251 = arith.constant 0 : i32
      %dma_wait3A_252 = tpu.memref_slice %arg5[%add3A_224, %dma_wait3A_251] : memref<327680x128xf32, #tpu.memory_space<hbm>> -> memref<128x128xf32, #tpu.memory_space<hbm>>
      %dma_wait3A_253 = arith.constant 0 : i32
      %dma_wait3A_254 = arith.constant 0 : i32
      %dma_wait3A_255 = tpu.memref_slice %arg8[%dma_wait3A_241, %dma_wait3A_253, %dma_wait3A_254] : memref<2x128x128xf32, #tpu.memory_space<vmem>> -> memref<1x128x128xf32, #tpu.memory_space<vmem>>
      %dma_wait3A_256 = tpu.memref_squeeze %dma_wait3A_255 : memref<1x128x128xf32, #tpu.memory_space<vmem>> -> memref<128x128xf32, #tpu.memory_space<vmem>>
      tpu.wait_dma2 semaphore(%dma_wait3A_250 : memref<!tpu.dma_semaphore, #tpu.memory_space<semaphore_mem>>) src(%dma_wait3A_256 : memref<128x128xf32, #tpu.memory_space<vmem>>) dst(%dma_wait3A_252 : memref<128x128xf32, #tpu.memory_space<hbm>>)
      %add3A_257 = arith.constant 2 : i32
      %add3A_258 = arith.addi %add3A_207, %add3A_257 : i32
      %mul3A_259 = arith.constant 128 : i32
      %mul3A_260 = arith.muli %add3A_258, %mul3A_259 : i32
      %dma_start3A_261 = arith.constant 1 : i32
      %dma_start3A_262 = arith.constant 1 : i32
      %dma_start3A_263 = arith.constant 0 : i32
      %dma_start3A_264 = arith.constant 0 : i32
      %dma_start3A_265 = tpu.memref_slice %arg8[%dma_start3A_261, %dma_start3A_263, %dma_start3A_264] : memref<2x128x128xf32, #tpu.memory_space<vmem>> -> memref<1x128x128xf32, #tpu.memory_space<vmem>>
      %dma_start3A_266 = tpu.memref_squeeze %dma_start3A_265 : memref<1x128x128xf32, #tpu.memory_space<vmem>> -> memref<128x128xf32, #tpu.memory_space<vmem>>
      %dma_start3A_267 = tpu.memref_slice %arg7[%mul3A_260] : memref<10240xi32, #tpu.memory_space<vmem>> -> memref<128xi32, #tpu.memory_space<vmem>>
      %dma_start3A_268 = arith.constant 0 : i32
      %dma_start3A_269 = arith.constant 0 : i32
      %dma_start3A_270 = tpu.memref_slice %arg2[%dma_start3A_268, %dma_start3A_269] : memref<100000x128xf32, #tpu.memory_space<hbm>> -> memref<100000x128xf32, #tpu.memory_space<hbm>>
      %dma_start3A_271 = tpu.memref_slice %arg9[%dma_start3A_262] : memref<2x!tpu.dma_semaphore, #tpu.memory_space<semaphore_mem>> -> memref<1x!tpu.dma_semaphore, #tpu.memory_space<semaphore_mem>>
      %dma_start3A_272 = tpu.memref_squeeze %dma_start3A_271 : memref<1x!tpu.dma_semaphore, #tpu.memory_space<semaphore_mem>> -> memref<!tpu.dma_semaphore, #tpu.memory_space<semaphore_mem>>
      tpu.enqueue_indirect_dma source(%dma_start3A_270 : memref<100000x128xf32, #tpu.memory_space<hbm>>) target(%dma_start3A_266 : memref<128x128xf32, #tpu.memory_space<vmem>>) offsets(%dma_start3A_267 : memref<128xi32, #tpu.memory_space<vmem>>) semaphore(%dma_start3A_272 : memref<!tpu.dma_semaphore, #tpu.memory_space<semaphore_mem>>)
    }
    %scan3A_32 = arith.constant 39 : i32
    %dma_wait3A = arith.constant 0 : i32
    %dma_wait3A_33 = arith.constant 0 : i32
    %dma_wait3A_34 = arith.constant 0 : i32
    %dma_wait3A_35 = arith.constant 0 : i32
    %dma_wait3A_36 = tpu.memref_slice %arg8[%dma_wait3A, %dma_wait3A_34, %dma_wait3A_35] : memref<2x128x128xf32, #tpu.memory_space<vmem>> -> memref<1x128x128xf32, #tpu.memory_space<vmem>>
    %dma_wait3A_37 = tpu.memref_squeeze %dma_wait3A_36 : memref<1x128x128xf32, #tpu.memory_space<vmem>> -> memref<128x128xf32, #tpu.memory_space<vmem>>
    %dma_wait3A_38 = arith.constant 9984 : i32
    %dma_wait3A_39 = tpu.memref_slice %arg7[%dma_wait3A_38] : memref<10240xi32, #tpu.memory_space<vmem>> -> memref<128xi32, #tpu.memory_space<vmem>>
    %dma_wait3A_40 = arith.constant 0 : i32
    %dma_wait3A_41 = arith.constant 0 : i32
    %dma_wait3A_42 = tpu.memref_slice %arg2[%dma_wait3A_40, %dma_wait3A_41] : memref<100000x128xf32, #tpu.memory_space<hbm>> -> memref<100000x128xf32, #tpu.memory_space<hbm>>
    %dma_wait3A_43 = tpu.memref_slice %arg9[%dma_wait3A_33] : memref<2x!tpu.dma_semaphore, #tpu.memory_space<semaphore_mem>> -> memref<1x!tpu.dma_semaphore, #tpu.memory_space<semaphore_mem>>
    %dma_wait3A_44 = tpu.memref_squeeze %dma_wait3A_43 : memref<1x!tpu.dma_semaphore, #tpu.memory_space<semaphore_mem>> -> memref<!tpu.dma_semaphore, #tpu.memory_space<semaphore_mem>>
    tpu.wait_indirect_dma semaphore(%dma_wait3A_44 : memref<!tpu.dma_semaphore, #tpu.memory_space<semaphore_mem>>) src(%dma_wait3A_42 : memref<100000x128xf32, #tpu.memory_space<hbm>>) dst(%dma_wait3A_37 : memref<128x128xf32, #tpu.memory_space<vmem>>)
    %add3A_45 = arith.constant 9984 : i32
    %add3A_46 = arith.addi %mul3A_2, %add3A_45 : i32
    %dma_start3A_47 = arith.constant 0 : i32
    %dma_start3A_48 = arith.constant 0 : i32
    %dma_start3A_49 = arith.constant 0 : i32
    %dma_start3A_50 = arith.constant 0 : i32
    %dma_start3A_51 = tpu.memref_slice %arg8[%dma_start3A_47, %dma_start3A_49, %dma_start3A_50] : memref<2x128x128xf32, #tpu.memory_space<vmem>> -> memref<1x128x128xf32, #tpu.memory_space<vmem>>
    %dma_start3A_52 = tpu.memref_squeeze %dma_start3A_51 : memref<1x128x128xf32, #tpu.memory_space<vmem>> -> memref<128x128xf32, #tpu.memory_space<vmem>>
    %dma_start3A_53 = arith.constant 0 : i32
    %dma_start3A_54 = tpu.memref_slice %arg5[%add3A_46, %dma_start3A_53] : memref<327680x128xf32, #tpu.memory_space<hbm>> -> memref<128x128xf32, #tpu.memory_space<hbm>>
    %dma_start3A_55 = tpu.memref_slice %arg10[%dma_start3A_48] : memref<2x!tpu.dma_semaphore, #tpu.memory_space<semaphore_mem>> -> memref<1x!tpu.dma_semaphore, #tpu.memory_space<semaphore_mem>>
    %dma_start3A_56 = tpu.memref_squeeze %dma_start3A_55 : memref<1x!tpu.dma_semaphore, #tpu.memory_space<semaphore_mem>> -> memref<!tpu.dma_semaphore, #tpu.memory_space<semaphore_mem>>
    %dma_start3A_57 = arith.constant 0 : i32
    %dma_start3A_58 = tpu.memref_slice %arg5[%add3A_46, %dma_start3A_57] : memref<327680x128xf32, #tpu.memory_space<hbm>> -> memref<128x128xf32, #tpu.memory_space<hbm>>
    %dma_start3A_59 = arith.constant 0 : i32
    %dma_start3A_60 = arith.constant 0 : i32
    %dma_start3A_61 = tpu.memref_slice %arg8[%dma_start3A_47, %dma_start3A_59, %dma_start3A_60] : memref<2x128x128xf32, #tpu.memory_space<vmem>> -> memref<1x128x128xf32, #tpu.memory_space<vmem>>
    %dma_start3A_62 = tpu.memref_squeeze %dma_start3A_61 : memref<1x128x128xf32, #tpu.memory_space<vmem>> -> memref<128x128xf32, #tpu.memory_space<vmem>>
    tpu.enqueue_dma source(%dma_start3A_62 : memref<128x128xf32, #tpu.memory_space<vmem>>) target(%dma_start3A_58 : memref<128x128xf32, #tpu.memory_space<hbm>>) target_semaphore(%dma_start3A_56 : memref<!tpu.dma_semaphore, #tpu.memory_space<semaphore_mem>>)
    %dma_wait3A_63 = arith.constant 0 : i32
    %dma_wait3A_64 = arith.constant 0 : i32
    %dma_wait3A_65 = arith.constant 0 : i32
    %dma_wait3A_66 = arith.constant 0 : i32
    %dma_wait3A_67 = tpu.memref_slice %arg8[%dma_wait3A_63, %dma_wait3A_65, %dma_wait3A_66] : memref<2x128x128xf32, #tpu.memory_space<vmem>> -> memref<1x128x128xf32, #tpu.memory_space<vmem>>
    %dma_wait3A_68 = tpu.memref_squeeze %dma_wait3A_67 : memref<1x128x128xf32, #tpu.memory_space<vmem>> -> memref<128x128xf32, #tpu.memory_space<vmem>>
    %dma_wait3A_69 = arith.constant 0 : i32
    %dma_wait3A_70 = tpu.memref_slice %arg5[%add3A_46, %dma_wait3A_69] : memref<327680x128xf32, #tpu.memory_space<hbm>> -> memref<128x128xf32, #tpu.memory_space<hbm>>
    %dma_wait3A_71 = tpu.memref_slice %arg10[%dma_wait3A_64] : memref<2x!tpu.dma_semaphore, #tpu.memory_space<semaphore_mem>> -> memref<1x!tpu.dma_semaphore, #tpu.memory_space<semaphore_mem>>
    %dma_wait3A_72 = tpu.memref_squeeze %dma_wait3A_71 : memref<1x!tpu.dma_semaphore, #tpu.memory_space<semaphore_mem>> -> memref<!tpu.dma_semaphore, #tpu.memory_space<semaphore_mem>>
    %dma_wait3A_73 = arith.constant 0 : i32
    %dma_wait3A_74 = tpu.memref_slice %arg5[%add3A_46, %dma_wait3A_73] : memref<327680x128xf32, #tpu.memory_space<hbm>> -> memref<128x128xf32, #tpu.memory_space<hbm>>
    %dma_wait3A_75 = arith.constant 0 : i32
    %dma_wait3A_76 = arith.constant 0 : i32
    %dma_wait3A_77 = tpu.memref_slice %arg8[%dma_wait3A_63, %dma_wait3A_75, %dma_wait3A_76] : memref<2x128x128xf32, #tpu.memory_space<vmem>> -> memref<1x128x128xf32, #tpu.memory_space<vmem>>
    %dma_wait3A_78 = tpu.memref_squeeze %dma_wait3A_77 : memref<1x128x128xf32, #tpu.memory_space<vmem>> -> memref<128x128xf32, #tpu.memory_space<vmem>>
    tpu.wait_dma2 semaphore(%dma_wait3A_72 : memref<!tpu.dma_semaphore, #tpu.memory_space<semaphore_mem>>) src(%dma_wait3A_78 : memref<128x128xf32, #tpu.memory_space<vmem>>) dst(%dma_wait3A_74 : memref<128x128xf32, #tpu.memory_space<hbm>>)
    %dma_wait3A_79 = arith.constant 1 : i32
    %dma_wait3A_80 = arith.constant 1 : i32
    %dma_wait3A_81 = arith.constant 0 : i32
    %dma_wait3A_82 = arith.constant 0 : i32
    %dma_wait3A_83 = tpu.memref_slice %arg8[%dma_wait3A_79, %dma_wait3A_81, %dma_wait3A_82] : memref<2x128x128xf32, #tpu.memory_space<vmem>> -> memref<1x128x128xf32, #tpu.memory_space<vmem>>
    %dma_wait3A_84 = tpu.memref_squeeze %dma_wait3A_83 : memref<1x128x128xf32, #tpu.memory_space<vmem>> -> memref<128x128xf32, #tpu.memory_space<vmem>>
    %dma_wait3A_85 = arith.constant 10112 : i32
    %dma_wait3A_86 = tpu.memref_slice %arg7[%dma_wait3A_85] : memref<10240xi32, #tpu.memory_space<vmem>> -> memref<128xi32, #tpu.memory_space<vmem>>
    %dma_wait3A_87 = arith.constant 0 : i32
    %dma_wait3A_88 = arith.constant 0 : i32
    %dma_wait3A_89 = tpu.memref_slice %arg2[%dma_wait3A_87, %dma_wait3A_88] : memref<100000x128xf32, #tpu.memory_space<hbm>> -> memref<100000x128xf32, #tpu.memory_space<hbm>>
    %dma_wait3A_90 = tpu.memref_slice %arg9[%dma_wait3A_80] : memref<2x!tpu.dma_semaphore, #tpu.memory_space<semaphore_mem>> -> memref<1x!tpu.dma_semaphore, #tpu.memory_space<semaphore_mem>>
    %dma_wait3A_91 = tpu.memref_squeeze %dma_wait3A_90 : memref<1x!tpu.dma_semaphore, #tpu.memory_space<semaphore_mem>> -> memref<!tpu.dma_semaphore, #tpu.memory_space<semaphore_mem>>
    tpu.wait_indirect_dma semaphore(%dma_wait3A_91 : memref<!tpu.dma_semaphore, #tpu.memory_space<semaphore_mem>>) src(%dma_wait3A_89 : memref<100000x128xf32, #tpu.memory_space<hbm>>) dst(%dma_wait3A_84 : memref<128x128xf32, #tpu.memory_space<vmem>>)
    %add3A_92 = arith.constant 10112 : i32
    %add3A_93 = arith.addi %mul3A_2, %add3A_92 : i32
    %dma_start3A_94 = arith.constant 1 : i32
    %dma_start3A_95 = arith.constant 1 : i32
    %dma_start3A_96 = arith.constant 0 : i32
    %dma_start3A_97 = arith.constant 0 : i32
    %dma_start3A_98 = tpu.memref_slice %arg8[%dma_start3A_94, %dma_start3A_96, %dma_start3A_97] : memref<2x128x128xf32, #tpu.memory_space<vmem>> -> memref<1x128x128xf32, #tpu.memory_space<vmem>>
    %dma_start3A_99 = tpu.memref_squeeze %dma_start3A_98 : memref<1x128x128xf32, #tpu.memory_space<vmem>> -> memref<128x128xf32, #tpu.memory_space<vmem>>
    %dma_start3A_100 = arith.constant 0 : i32
    %dma_start3A_101 = tpu.memref_slice %arg5[%add3A_93, %dma_start3A_100] : memref<327680x128xf32, #tpu.memory_space<hbm>> -> memref<128x128xf32, #tpu.memory_space<hbm>>
    %dma_start3A_102 = tpu.memref_slice %arg10[%dma_start3A_95] : memref<2x!tpu.dma_semaphore, #tpu.memory_space<semaphore_mem>> -> memref<1x!tpu.dma_semaphore, #tpu.memory_space<semaphore_mem>>
    %dma_start3A_103 = tpu.memref_squeeze %dma_start3A_102 : memref<1x!tpu.dma_semaphore, #tpu.memory_space<semaphore_mem>> -> memref<!tpu.dma_semaphore, #tpu.memory_space<semaphore_mem>>
    %dma_start3A_104 = arith.constant 0 : i32
    %dma_start3A_105 = tpu.memref_slice %arg5[%add3A_93, %dma_start3A_104] : memref<327680x128xf32, #tpu.memory_space<hbm>> -> memref<128x128xf32, #tpu.memory_space<hbm>>
    %dma_start3A_106 = arith.constant 0 : i32
    %dma_start3A_107 = arith.constant 0 : i32
    %dma_start3A_108 = tpu.memref_slice %arg8[%dma_start3A_94, %dma_start3A_106, %dma_start3A_107] : memref<2x128x128xf32, #tpu.memory_space<vmem>> -> memref<1x128x128xf32, #tpu.memory_space<vmem>>
    %dma_start3A_109 = tpu.memref_squeeze %dma_start3A_108 : memref<1x128x128xf32, #tpu.memory_space<vmem>> -> memref<128x128xf32, #tpu.memory_space<vmem>>
    tpu.enqueue_dma source(%dma_start3A_109 : memref<128x128xf32, #tpu.memory_space<vmem>>) target(%dma_start3A_105 : memref<128x128xf32, #tpu.memory_space<hbm>>) target_semaphore(%dma_start3A_103 : memref<!tpu.dma_semaphore, #tpu.memory_space<semaphore_mem>>)
    %dma_wait3A_110 = arith.constant 1 : i32
    %dma_wait3A_111 = arith.constant 1 : i32
    %dma_wait3A_112 = arith.constant 0 : i32
    %dma_wait3A_113 = arith.constant 0 : i32
    %dma_wait3A_114 = tpu.memref_slice %arg8[%dma_wait3A_110, %dma_wait3A_112, %dma_wait3A_113] : memref<2x128x128xf32, #tpu.memory_space<vmem>> -> memref<1x128x128xf32, #tpu.memory_space<vmem>>
    %dma_wait3A_115 = tpu.memref_squeeze %dma_wait3A_114 : memref<1x128x128xf32, #tpu.memory_space<vmem>> -> memref<128x128xf32, #tpu.memory_space<vmem>>
    %dma_wait3A_116 = arith.constant 0 : i32
    %dma_wait3A_117 = tpu.memref_slice %arg5[%add3A_93, %dma_wait3A_116] : memref<327680x128xf32, #tpu.memory_space<hbm>> -> memref<128x128xf32, #tpu.memory_space<hbm>>
    %dma_wait3A_118 = tpu.memref_slice %arg10[%dma_wait3A_111] : memref<2x!tpu.dma_semaphore, #tpu.memory_space<semaphore_mem>> -> memref<1x!tpu.dma_semaphore, #tpu.memory_space<semaphore_mem>>
    %dma_wait3A_119 = tpu.memref_squeeze %dma_wait3A_118 : memref<1x!tpu.dma_semaphore, #tpu.memory_space<semaphore_mem>> -> memref<!tpu.dma_semaphore, #tpu.memory_space<semaphore_mem>>
    %dma_wait3A_120 = arith.constant 0 : i32
    %dma_wait3A_121 = tpu.memref_slice %arg5[%add3A_93, %dma_wait3A_120] : memref<327680x128xf32, #tpu.memory_space<hbm>> -> memref<128x128xf32, #tpu.memory_space<hbm>>
    %dma_wait3A_122 = arith.constant 0 : i32
    %dma_wait3A_123 = arith.constant 0 : i32
    %dma_wait3A_124 = tpu.memref_slice %arg8[%dma_wait3A_110, %dma_wait3A_122, %dma_wait3A_123] : memref<2x128x128xf32, #tpu.memory_space<vmem>> -> memref<1x128x128xf32, #tpu.memory_space<vmem>>
    %dma_wait3A_125 = tpu.memref_squeeze %dma_wait3A_124 : memref<1x128x128xf32, #tpu.memory_space<vmem>> -> memref<128x128xf32, #tpu.memory_space<vmem>>
    tpu.wait_dma2 semaphore(%dma_wait3A_119 : memref<!tpu.dma_semaphore, #tpu.memory_space<semaphore_mem>>) src(%dma_wait3A_125 : memref<128x128xf32, #tpu.memory_space<vmem>>) dst(%dma_wait3A_121 : memref<128x128xf32, #tpu.memory_space<hbm>>)
    %mul3A_126 = arith.constant 512 : i32
    %mul3A_127 = arith.muli %add3A, %mul3A_126 : i32
    %scan3A_128 = arith.constant 0 : i32
    %scan3A_129 = arith.constant 0 : i32
    %scan3A_130 = arith.constant 4 : i32
    %scan3A_131 = arith.addi %scan3A_129, %scan3A_130 : i32
    %scan3A_132 = arith.constant 1 : i32
    scf.for %scan3A_134 = %scan3A_129 to %scan3A_131 step %scan3A_132  : i32 {
      %mul3A_135 = arith.constant 128 : i32
      %mul3A_136 = arith.muli %scan3A_134, %mul3A_135 : i32
      %add3A_137 = arith.addi %mul3A_127, %mul3A_136 : i32
      "tpu.region"() ({
        %run_scoped3A_164 = tpu.sem_alloc : memref<!tpu.dma_semaphore, #tpu.memory_space<semaphore_mem>>
        %dma_start3A_165 = arith.constant 0 : i32
        %dma_start3A_166 = tpu.memref_slice %arg7[%dma_start3A_165] : memref<10240xi32, #tpu.memory_space<vmem>> -> memref<128xi32, #tpu.memory_space<vmem>>
        %dma_start3A_167 = tpu.memref_slice %arg4[%add3A_137] : memref<16384xi32, #tpu.memory_space<hbm>> -> memref<128xi32, #tpu.memory_space<hbm>>
        %dma_start3A_168 = arith.constant 0 : i32
        %dma_start3A_169 = tpu.memref_slice %arg7[%dma_start3A_168] : memref<10240xi32, #tpu.memory_space<vmem>> -> memref<128xi32, #tpu.memory_space<vmem>>
        %dma_start3A_170 = tpu.memref_slice %arg4[%add3A_137] : memref<16384xi32, #tpu.memory_space<hbm>> -> memref<128xi32, #tpu.memory_space<hbm>>
        tpu.enqueue_dma source(%dma_start3A_170 : memref<128xi32, #tpu.memory_space<hbm>>) target(%dma_start3A_169 : memref<128xi32, #tpu.memory_space<vmem>>) target_semaphore(%run_scoped3A_164 : memref<!tpu.dma_semaphore, #tpu.memory_space<semaphore_mem>>)
        %dma_wait3A_171 = arith.constant 0 : i32
        %dma_wait3A_172 = tpu.memref_slice %arg7[%dma_wait3A_171] : memref<10240xi32, #tpu.memory_space<vmem>> -> memref<128xi32, #tpu.memory_space<vmem>>
        %dma_wait3A_173 = tpu.memref_slice %arg4[%add3A_137] : memref<16384xi32, #tpu.memory_space<hbm>> -> memref<128xi32, #tpu.memory_space<hbm>>
        %dma_wait3A_174 = arith.constant 0 : i32
        %dma_wait3A_175 = tpu.memref_slice %arg7[%dma_wait3A_174] : memref<10240xi32, #tpu.memory_space<vmem>> -> memref<128xi32, #tpu.memory_space<vmem>>
        %dma_wait3A_176 = tpu.memref_slice %arg4[%add3A_137] : memref<16384xi32, #tpu.memory_space<hbm>> -> memref<128xi32, #tpu.memory_space<hbm>>
        tpu.wait_dma2 semaphore(%run_scoped3A_164 : memref<!tpu.dma_semaphore, #tpu.memory_space<semaphore_mem>>) src(%dma_wait3A_176 : memref<128xi32, #tpu.memory_space<hbm>>) dst(%dma_wait3A_175 : memref<128xi32, #tpu.memory_space<vmem>>)
        tpu.yield
      }) : () -> ()
      %dma_start3A_138 = arith.constant 0 : i32
      %dma_start3A_139 = arith.constant 0 : i32
      %dma_start3A_140 = arith.constant 0 : i32
      %dma_start3A_141 = arith.constant 0 : i32
      %dma_start3A_142 = tpu.memref_slice %arg8[%dma_start3A_138, %dma_start3A_140, %dma_start3A_141] : memref<2x128x128xf32, #tpu.memory_space<vmem>> -> memref<1x128x128xf32, #tpu.memory_space<vmem>>
      %dma_start3A_143 = tpu.memref_squeeze %dma_start3A_142 : memref<1x128x128xf32, #tpu.memory_space<vmem>> -> memref<128x128xf32, #tpu.memory_space<vmem>>
      %dma_start3A_144 = arith.constant 0 : i32
      %dma_start3A_145 = tpu.memref_slice %arg7[%dma_start3A_144] : memref<10240xi32, #tpu.memory_space<vmem>> -> memref<128xi32, #tpu.memory_space<vmem>>
      %dma_start3A_146 = arith.constant 0 : i32
      %dma_start3A_147 = arith.constant 0 : i32
      %dma_start3A_148 = tpu.memref_slice %arg2[%dma_start3A_146, %dma_start3A_147] : memref<100000x128xf32, #tpu.memory_space<hbm>> -> memref<100000x128xf32, #tpu.memory_space<hbm>>
      %dma_start3A_149 = tpu.memref_slice %arg9[%dma_start3A_139] : memref<2x!tpu.dma_semaphore, #tpu.memory_space<semaphore_mem>> -> memref<1x!tpu.dma_semaphore, #tpu.memory_space<semaphore_mem>>
      %dma_start3A_150 = tpu.memref_squeeze %dma_start3A_149 : memref<1x!tpu.dma_semaphore, #tpu.memory_space<semaphore_mem>> -> memref<!tpu.dma_semaphore, #tpu.memory_space<semaphore_mem>>
      tpu.enqueue_indirect_dma source(%dma_start3A_148 : memref<100000x128xf32, #tpu.memory_space<hbm>>) target(%dma_start3A_143 : memref<128x128xf32, #tpu.memory_space<vmem>>) offsets(%dma_start3A_145 : memref<128xi32, #tpu.memory_space<vmem>>) semaphore(%dma_start3A_150 : memref<!tpu.dma_semaphore, #tpu.memory_space<semaphore_mem>>)
      %dma_wait3A_151 = arith.constant 0 : i32
      %dma_wait3A_152 = arith.constant 0 : i32
      %dma_wait3A_153 = arith.constant 0 : i32
      %dma_wait3A_154 = arith.constant 0 : i32
      %dma_wait3A_155 = tpu.memref_slice %arg8[%dma_wait3A_151, %dma_wait3A_153, %dma_wait3A_154] : memref<2x128x128xf32, #tpu.memory_space<vmem>> -> memref<1x128x128xf32, #tpu.memory_space<vmem>>
      %dma_wait3A_156 = tpu.memref_squeeze %dma_wait3A_155 : memref<1x128x128xf32, #tpu.memory_space<vmem>> -> memref<128x128xf32, #tpu.memory_space<vmem>>
      %dma_wait3A_157 = arith.constant 0 : i32
      %dma_wait3A_158 = tpu.memref_slice %arg7[%dma_wait3A_157] : memref<10240xi32, #tpu.memory_space<vmem>> -> memref<128xi32, #tpu.memory_space<vmem>>
      %dma_wait3A_159 = arith.constant 0 : i32
      %dma_wait3A_160 = arith.constant 0 : i32
      %dma_wait3A_161 = tpu.memref_slice %arg2[%dma_wait3A_159, %dma_wait3A_160] : memref<100000x128xf32, #tpu.memory_space<hbm>> -> memref<100000x128xf32, #tpu.memory_space<hbm>>
      %dma_wait3A_162 = tpu.memref_slice %arg9[%dma_wait3A_152] : memref<2x!tpu.dma_semaphore, #tpu.memory_space<semaphore_mem>> -> memref<1x!tpu.dma_semaphore, #tpu.memory_space<semaphore_mem>>
      %dma_wait3A_163 = tpu.memref_squeeze %dma_wait3A_162 : memref<1x!tpu.dma_semaphore, #tpu.memory_space<semaphore_mem>> -> memref<!tpu.dma_semaphore, #tpu.memory_space<semaphore_mem>>
      tpu.wait_indirect_dma semaphore(%dma_wait3A_163 : memref<!tpu.dma_semaphore, #tpu.memory_space<semaphore_mem>>) src(%dma_wait3A_161 : memref<100000x128xf32, #tpu.memory_space<hbm>>) dst(%dma_wait3A_156 : memref<128x128xf32, #tpu.memory_space<vmem>>)
      %run_scoped3A = arith.constant 0 : i32
      "tpu.region"() ({
        %run_scoped3A_164 = tpu.sem_alloc : memref<!tpu.dma_semaphore, #tpu.memory_space<semaphore_mem>>
        %dma_start3A_165 = arith.constant 0 : i32
        %dma_start3A_166 = arith.constant 0 : i32
        %dma_start3A_167 = tpu.memref_slice %arg8[%run_scoped3A, %dma_start3A_165, %dma_start3A_166] : memref<2x128x128xf32, #tpu.memory_space<vmem>> -> memref<1x128x128xf32, #tpu.memory_space<vmem>>
        %dma_start3A_168 = tpu.memref_squeeze %dma_start3A_167 : memref<1x128x128xf32, #tpu.memory_space<vmem>> -> memref<128x128xf32, #tpu.memory_space<vmem>>
        %dma_start3A_169 = arith.constant 0 : i32
        %dma_start3A_170 = tpu.memref_slice %arg6[%add3A_137, %dma_start3A_169] : memref<16384x128xf32, #tpu.memory_space<hbm>> -> memref<128x128xf32, #tpu.memory_space<hbm>>
        %dma_start3A_171 = arith.constant 0 : i32
        %dma_start3A_172 = tpu.memref_slice %arg6[%add3A_137, %dma_start3A_171] : memref<16384x128xf32, #tpu.memory_space<hbm>> -> memref<128x128xf32, #tpu.memory_space<hbm>>
        %dma_start3A_173 = arith.constant 0 : i32
        %dma_start3A_174 = arith.constant 0 : i32
        %dma_start3A_175 = tpu.memref_slice %arg8[%run_scoped3A, %dma_start3A_173, %dma_start3A_174] : memref<2x128x128xf32, #tpu.memory_space<vmem>> -> memref<1x128x128xf32, #tpu.memory_space<vmem>>
        %dma_start3A_176 = tpu.memref_squeeze %dma_start3A_175 : memref<1x128x128xf32, #tpu.memory_space<vmem>> -> memref<128x128xf32, #tpu.memory_space<vmem>>
        tpu.enqueue_dma source(%dma_start3A_176 : memref<128x128xf32, #tpu.memory_space<vmem>>) target(%dma_start3A_172 : memref<128x128xf32, #tpu.memory_space<hbm>>) target_semaphore(%run_scoped3A_164 : memref<!tpu.dma_semaphore, #tpu.memory_space<semaphore_mem>>)
        %dma_wait3A_177 = arith.constant 0 : i32
        %dma_wait3A_178 = arith.constant 0 : i32
        %dma_wait3A_179 = tpu.memref_slice %arg8[%run_scoped3A, %dma_wait3A_177, %dma_wait3A_178] : memref<2x128x128xf32, #tpu.memory_space<vmem>> -> memref<1x128x128xf32, #tpu.memory_space<vmem>>
        %dma_wait3A_180 = tpu.memref_squeeze %dma_wait3A_179 : memref<1x128x128xf32, #tpu.memory_space<vmem>> -> memref<128x128xf32, #tpu.memory_space<vmem>>
        %dma_wait3A_181 = arith.constant 0 : i32
        %dma_wait3A_182 = tpu.memref_slice %arg6[%add3A_137, %dma_wait3A_181] : memref<16384x128xf32, #tpu.memory_space<hbm>> -> memref<128x128xf32, #tpu.memory_space<hbm>>
        %dma_wait3A_183 = arith.constant 0 : i32
        %dma_wait3A_184 = tpu.memref_slice %arg6[%add3A_137, %dma_wait3A_183] : memref<16384x128xf32, #tpu.memory_space<hbm>> -> memref<128x128xf32, #tpu.memory_space<hbm>>
        %dma_wait3A_185 = arith.constant 0 : i32
        %dma_wait3A_186 = arith.constant 0 : i32
        %dma_wait3A_187 = tpu.memref_slice %arg8[%run_scoped3A, %dma_wait3A_185, %dma_wait3A_186] : memref<2x128x128xf32, #tpu.memory_space<vmem>> -> memref<1x128x128xf32, #tpu.memory_space<vmem>>
        %dma_wait3A_188 = tpu.memref_squeeze %dma_wait3A_187 : memref<1x128x128xf32, #tpu.memory_space<vmem>> -> memref<128x128xf32, #tpu.memory_space<vmem>>
        tpu.wait_dma2 semaphore(%run_scoped3A_164 : memref<!tpu.dma_semaphore, #tpu.memory_space<semaphore_mem>>) src(%dma_wait3A_188 : memref<128x128xf32, #tpu.memory_space<vmem>>) dst(%dma_wait3A_184 : memref<128x128xf32, #tpu.memory_space<hbm>>)
        tpu.yield
      }) : () -> ()
    }
    %scan3A_133 = arith.constant 4 : i32
    return
  }
}

module attributes {stable_mosaic.version = 14 : i64} {
  func.func @_tc_body(%arg0: i32, %arg1: memref<5120x128xf32, #tpu.memory_space<vmem>>, %arg2: memref<5120x16xf32, #tpu.memory_space<vmem>>, %arg3: memref<256x128xf32, #tpu.memory_space<vmem>>, %arg4: memref<5120x1xf32, #tpu.memory_space<vmem>>, %arg5: memref<5120x1xf32, #tpu.memory_space<vmem>>, %arg6: memref<5120x1xi32, #tpu.memory_space<vmem>>, %arg7: memref<128x128xf32, #tpu.memory_space<vmem>>, %arg8: memref<100x128xf32, #tpu.memory_space<vmem>>, %arg9: memref<16x128xf32, #tpu.memory_space<vmem>>, %arg10: memref<128x128xf32, #tpu.memory_space<vmem>>, %arg11: memref<128x128xf32, #tpu.memory_space<vmem>>, %arg12: memref<100x128xf32, #tpu.memory_space<vmem>>, %arg13: memref<1x100xf32, #tpu.memory_space<vmem>>, %arg14: memref<1x100xf32, #tpu.memory_space<vmem>>, %arg15: memref<1x128xf32, #tpu.memory_space<vmem>>, %arg16: memref<1x128xf32, #tpu.memory_space<vmem>>, %arg17: memref<256x128xf32, #tpu.memory_space<vmem>>) attributes {dimension_semantics = [#tpu.dimension_semantics<arbitrary>], iteration_bounds = array<i64: 64>, scalar_prefetch = 0 : i64, scratch_operands = 0 : i64, tpu.core_type = #tpu.core_type<tc>, window_params = [{transform_indices = @transform_0, window_bounds = array<i64: 5120, 128>}, {transform_indices = @transform_1, window_bounds = array<i64: 5120, 16>}, {transform_indices = @transform_2, window_bounds = array<i64: 256, 128>}, {transform_indices = @transform_3, window_bounds = array<i64: 5120, 1>}, {transform_indices = @transform_4, window_bounds = array<i64: 5120, 1>}, {transform_indices = @transform_5, window_bounds = array<i64: 5120, 1>}, {pipeline_mode = #tpu.pipeline_mode<synchronous>, transform_indices = @transform_6, window_bounds = array<i64: 128, 128>}, {pipeline_mode = #tpu.pipeline_mode<synchronous>, transform_indices = @transform_7, window_bounds = array<i64: 100, 128>}, {pipeline_mode = #tpu.pipeline_mode<synchronous>, transform_indices = @transform_8, window_bounds = array<i64: 16, 128>}, {pipeline_mode = #tpu.pipeline_mode<synchronous>, transform_indices = @transform_9, window_bounds = array<i64: 128, 128>}, {pipeline_mode = #tpu.pipeline_mode<synchronous>, transform_indices = @transform_10, window_bounds = array<i64: 128, 128>}, {pipeline_mode = #tpu.pipeline_mode<synchronous>, transform_indices = @transform_11, window_bounds = array<i64: 100, 128>}, {pipeline_mode = #tpu.pipeline_mode<synchronous>, transform_indices = @transform_12, window_bounds = array<i64: 1, 100>}, {pipeline_mode = #tpu.pipeline_mode<synchronous>, transform_indices = @transform_13, window_bounds = array<i64: 1, 100>}, {pipeline_mode = #tpu.pipeline_mode<synchronous>, transform_indices = @transform_14, window_bounds = array<i64: 1, 128>}, {pipeline_mode = #tpu.pipeline_mode<synchronous>, transform_indices = @transform_15, window_bounds = array<i64: 1, 128>}, {transform_indices = @transform_16, window_bounds = array<i64: 256, 128>}]} {
    %get3A = arith.constant 0 : index
    %get3A_0 = arith.constant 0 : index
    %get3A_1 = vector.load %arg4[%get3A, %get3A_0] : memref<5120x1xf32, #tpu.memory_space<vmem>>, vector<5120x1xf32>
    %get3A_2 = arith.constant 0 : index
    %get3A_3 = arith.constant 0 : index
    %get3A_4 = vector.load %arg5[%get3A_2, %get3A_3] : memref<5120x1xf32, #tpu.memory_space<vmem>>, vector<5120x1xf32>
    %sub3A = arith.subf %get3A_1, %get3A_4 : vector<5120x1xf32>
    %get3A_5 = arith.constant 0 : index
    %get3A_6 = arith.constant 0 : index
    %get3A_7 = vector.load %arg13[%get3A_5, %get3A_6] : memref<1x100xf32, #tpu.memory_space<vmem>>, vector<1x100xf32>
    %mul3A = arith.constant 0.159154937 : f32
    %mul3A_8 = vector.broadcast %mul3A : f32 to vector<1x100xf32>
    %mul3A_9 = arith.mulf %get3A_7, %mul3A_8 : vector<1x100xf32>
    %get3A_10 = arith.constant 0 : index
    %get3A_11 = arith.constant 0 : index
    %get3A_12 = vector.load %arg14[%get3A_10, %get3A_11] : memref<1x100xf32, #tpu.memory_space<vmem>>, vector<1x100xf32>
    %mul3A_13 = arith.constant 0.159154937 : f32
    %mul3A_14 = vector.broadcast %mul3A_13 : f32 to vector<1x100xf32>
    %mul3A_15 = arith.mulf %get3A_12, %mul3A_14 : vector<1x100xf32>
    %mul3A_16 = vector.broadcast %sub3A : vector<5120x1xf32> to vector<5120x100xf32>
    %mul3A_17 = vector.broadcast %mul3A_9 : vector<1x100xf32> to vector<5120x100xf32>
    %mul3A_18 = arith.mulf %mul3A_16, %mul3A_17 : vector<5120x100xf32>
    %add3A = vector.broadcast %mul3A_15 : vector<1x100xf32> to vector<5120x100xf32>
    %add3A_19 = arith.addf %mul3A_18, %add3A : vector<5120x100xf32>
    %add3A_20 = arith.constant 5.000000e-01 : f32
    %add3A_21 = vector.broadcast %add3A_20 : f32 to vector<5120x100xf32>
    %add3A_22 = arith.addf %add3A_19, %add3A_21 : vector<5120x100xf32>
    %floor3A = math.floor %add3A_22 : vector<5120x100xf32>
    %sub3A_23 = arith.subf %add3A_19, %floor3A : vector<5120x100xf32>
    %mul3A_24 = arith.mulf %sub3A_23, %sub3A_23 : vector<5120x100xf32>
    %mul3A_25 = arith.constant -1.46093571 : f32
    %mul3A_26 = vector.broadcast %mul3A_25 : f32 to vector<5120x100xf32>
    %mul3A_27 = arith.mulf %mul3A_26, %mul3A_24 : vector<5120x100xf32>
    %add3A_28 = arith.constant 7.80659866 : f32
    %add3A_29 = vector.broadcast %add3A_28 : f32 to vector<5120x100xf32>
    %add3A_30 = arith.addf %mul3A_27, %add3A_29 : vector<5120x100xf32>
    %mul3A_31 = arith.mulf %add3A_30, %mul3A_24 : vector<5120x100xf32>
    %add3A_32 = arith.constant -26.4067574 : f32
    %add3A_33 = vector.broadcast %add3A_32 : f32 to vector<5120x100xf32>
    %add3A_34 = arith.addf %mul3A_31, %add3A_33 : vector<5120x100xf32>
    %mul3A_35 = arith.mulf %add3A_34, %mul3A_24 : vector<5120x100xf32>
    %add3A_36 = arith.constant 60.242466 : f32
    %add3A_37 = vector.broadcast %add3A_36 : f32 to vector<5120x100xf32>
    %add3A_38 = arith.addf %mul3A_35, %add3A_37 : vector<5120x100xf32>
    %mul3A_39 = arith.mulf %add3A_38, %mul3A_24 : vector<5120x100xf32>
    %add3A_40 = arith.constant -85.4566879 : f32
    %add3A_41 = vector.broadcast %add3A_40 : f32 to vector<5120x100xf32>
    %add3A_42 = arith.addf %mul3A_39, %add3A_41 : vector<5120x100xf32>
    %mul3A_43 = arith.mulf %add3A_42, %mul3A_24 : vector<5120x100xf32>
    %add3A_44 = arith.constant 64.9393921 : f32
    %add3A_45 = vector.broadcast %add3A_44 : f32 to vector<5120x100xf32>
    %add3A_46 = arith.addf %mul3A_43, %add3A_45 : vector<5120x100xf32>
    %mul3A_47 = arith.mulf %add3A_46, %mul3A_24 : vector<5120x100xf32>
    %add3A_48 = arith.constant -19.7392082 : f32
    %add3A_49 = vector.broadcast %add3A_48 : f32 to vector<5120x100xf32>
    %add3A_50 = arith.addf %mul3A_47, %add3A_49 : vector<5120x100xf32>
    %mul3A_51 = arith.mulf %add3A_50, %mul3A_24 : vector<5120x100xf32>
    %add3A_52 = arith.constant 1.000000e+00 : f32
    %add3A_53 = vector.broadcast %add3A_52 : f32 to vector<5120x100xf32>
    %add3A_54 = arith.addf %mul3A_51, %add3A_53 : vector<5120x100xf32>
    %get3A_55 = arith.constant 0 : index
    %get3A_56 = arith.constant 0 : index
    %get3A_57 = vector.load %arg1[%get3A_55, %get3A_56] : memref<5120x128xf32, #tpu.memory_space<vmem>>, vector<5120x128xf32>
    %get3A_58 = arith.constant 0 : index
    %get3A_59 = arith.constant 0 : index
    %get3A_60 = vector.load %arg2[%get3A_58, %get3A_59] : memref<5120x16xf32, #tpu.memory_space<vmem>>, vector<5120x16xf32>
    %get3A_61 = arith.constant 0 : index
    %get3A_62 = arith.constant 0 : index
    %get3A_63 = vector.load %arg7[%get3A_61, %get3A_62] : memref<128x128xf32, #tpu.memory_space<vmem>>, vector<128x128xf32>
    %dot_general3A = arith.constant dense<0.000000e+00> : vector<5120x128xf32>
    %dot_general3A_64 = tpu.matmul %get3A_57, %get3A_63, %dot_general3A {dimension_numbers = #tpu.dot_dimension_numbers<[1], [0], [0], [1], [0, 0, 1, 1], [], []>, transpose_lhs_hint = false} : vector<5120x128xf32>, vector<128x128xf32>, vector<5120x128xf32> -> vector<5120x128xf32>
    %get3A_65 = arith.constant 0 : index
    %get3A_66 = arith.constant 0 : index
    %get3A_67 = vector.load %arg8[%get3A_65, %get3A_66] : memref<100x128xf32, #tpu.memory_space<vmem>>, vector<100x128xf32>
    %dot_general3A_68 = arith.constant dense<0.000000e+00> : vector<5120x128xf32>
    %dot_general3A_69 = tpu.matmul %add3A_54, %get3A_67, %dot_general3A_68 {dimension_numbers = #tpu.dot_dimension_numbers<[1], [0], [0], [1], [0, 0, 1, 1], [], []>, transpose_lhs_hint = false} : vector<5120x100xf32>, vector<100x128xf32>, vector<5120x128xf32> -> vector<5120x128xf32>
    %add3A_70 = arith.addf %dot_general3A_64, %dot_general3A_69 : vector<5120x128xf32>
    %get3A_71 = arith.constant 0 : index
    %get3A_72 = arith.constant 0 : index
    %get3A_73 = vector.load %arg9[%get3A_71, %get3A_72] : memref<16x128xf32, #tpu.memory_space<vmem>>, vector<16x128xf32>
    %dot_general3A_74 = arith.constant dense<0.000000e+00> : vector<5120x128xf32>
    %dot_general3A_75 = tpu.matmul %get3A_60, %get3A_73, %dot_general3A_74 {dimension_numbers = #tpu.dot_dimension_numbers<[1], [0], [0], [1], [0, 0, 1, 1], [], []>, transpose_lhs_hint = false} : vector<5120x16xf32>, vector<16x128xf32>, vector<5120x128xf32> -> vector<5120x128xf32>
    %add3A_76 = arith.addf %add3A_70, %dot_general3A_75 : vector<5120x128xf32>
    %get3A_77 = arith.constant 0 : index
    %get3A_78 = arith.constant 0 : index
    %get3A_79 = vector.load %arg15[%get3A_77, %get3A_78] : memref<1x128xf32, #tpu.memory_space<vmem>>, vector<1x128xf32>
    %add3A_80 = vector.broadcast %get3A_79 : vector<1x128xf32> to vector<5120x128xf32>
    %add3A_81 = arith.addf %add3A_76, %add3A_80 : vector<5120x128xf32>
    %max3A = arith.constant 0.000000e+00 : f32
    %max3A_82 = vector.broadcast %max3A : f32 to vector<5120x128xf32>
    %max3A_83 = arith.maximumf %add3A_81, %max3A_82 : vector<5120x128xf32>
    %get3A_84 = arith.constant 0 : index
    %get3A_85 = arith.constant 0 : index
    %get3A_86 = vector.load %arg6[%get3A_84, %get3A_85] : memref<5120x1xi32, #tpu.memory_space<vmem>>, vector<5120x1xi32>
    %eq3A = arith.constant 0 : i32
    %eq3A_87 = vector.broadcast %eq3A : i32 to vector<5120x1xi32>
    %eq3A_88 = arith.cmpi eq, %get3A_86, %eq3A_87 : vector<5120x1xi32>
    %jit3A = arith.constant 0.000000e+00 : f32
    %broadcast_in_dim3A = vector.shape_cast %eq3A_88 : vector<5120x1xi1> to vector<5120x1xi1>
    %broadcast_in_dim3A_89 = vector.broadcast %broadcast_in_dim3A : vector<5120x1xi1> to vector<5120x128xi1>
    %broadcast_in_dim3A_90 = vector.broadcast %jit3A : f32 to vector<5120x128xf32>
    %select_n3A = arith.select %broadcast_in_dim3A_89, %broadcast_in_dim3A_90, %max3A_83 : vector<5120x128xi1>, vector<5120x128xf32>
    %reshape3A = vector.shape_cast %select_n3A : vector<5120x128xf32> to vector<256x20x128xf32>
    %reduce_sum3A = arith.constant dense<0.000000e+00> : vector<256x128xf32>
    %reduce_sum3A_91 = vector.multi_reduction <add>, %reshape3A, %reduce_sum3A [1] : vector<256x20x128xf32> to vector<256x128xf32>
    %add3A_92 = arith.constant 5.000000e-01 : f32
    %add3A_93 = vector.broadcast %add3A_92 : f32 to vector<1x100xf32>
    %add3A_94 = arith.addf %mul3A_15, %add3A_93 : vector<1x100xf32>
    %floor3A_95 = math.floor %add3A_94 : vector<1x100xf32>
    %sub3A_96 = arith.subf %mul3A_15, %floor3A_95 : vector<1x100xf32>
    %mul3A_97 = arith.mulf %sub3A_96, %sub3A_96 : vector<1x100xf32>
    %mul3A_98 = arith.constant -1.46093571 : f32
    %mul3A_99 = vector.broadcast %mul3A_98 : f32 to vector<1x100xf32>
    %mul3A_100 = arith.mulf %mul3A_99, %mul3A_97 : vector<1x100xf32>
    %add3A_101 = arith.constant 7.80659866 : f32
    %add3A_102 = vector.broadcast %add3A_101 : f32 to vector<1x100xf32>
    %add3A_103 = arith.addf %mul3A_100, %add3A_102 : vector<1x100xf32>
    %mul3A_104 = arith.mulf %add3A_103, %mul3A_97 : vector<1x100xf32>
    %add3A_105 = arith.constant -26.4067574 : f32
    %add3A_106 = vector.broadcast %add3A_105 : f32 to vector<1x100xf32>
    %add3A_107 = arith.addf %mul3A_104, %add3A_106 : vector<1x100xf32>
    %mul3A_108 = arith.mulf %add3A_107, %mul3A_97 : vector<1x100xf32>
    %add3A_109 = arith.constant 60.242466 : f32
    %add3A_110 = vector.broadcast %add3A_109 : f32 to vector<1x100xf32>
    %add3A_111 = arith.addf %mul3A_108, %add3A_110 : vector<1x100xf32>
    %mul3A_112 = arith.mulf %add3A_111, %mul3A_97 : vector<1x100xf32>
    %add3A_113 = arith.constant -85.4566879 : f32
    %add3A_114 = vector.broadcast %add3A_113 : f32 to vector<1x100xf32>
    %add3A_115 = arith.addf %mul3A_112, %add3A_114 : vector<1x100xf32>
    %mul3A_116 = arith.mulf %add3A_115, %mul3A_97 : vector<1x100xf32>
    %add3A_117 = arith.constant 64.9393921 : f32
    %add3A_118 = vector.broadcast %add3A_117 : f32 to vector<1x100xf32>
    %add3A_119 = arith.addf %mul3A_116, %add3A_118 : vector<1x100xf32>
    %mul3A_120 = arith.mulf %add3A_119, %mul3A_97 : vector<1x100xf32>
    %add3A_121 = arith.constant -19.7392082 : f32
    %add3A_122 = vector.broadcast %add3A_121 : f32 to vector<1x100xf32>
    %add3A_123 = arith.addf %mul3A_120, %add3A_122 : vector<1x100xf32>
    %mul3A_124 = arith.mulf %add3A_123, %mul3A_97 : vector<1x100xf32>
    %add3A_125 = arith.constant 1.000000e+00 : f32
    %add3A_126 = vector.broadcast %add3A_125 : f32 to vector<1x100xf32>
    %add3A_127 = arith.addf %mul3A_124, %add3A_126 : vector<1x100xf32>
    %get3A_128 = arith.constant 0 : index
    %get3A_129 = arith.constant 0 : index
    %get3A_130 = vector.load %arg12[%get3A_128, %get3A_129] : memref<100x128xf32, #tpu.memory_space<vmem>>, vector<100x128xf32>
    %dot_general3A_131 = arith.constant dense<0.000000e+00> : vector<1x128xf32>
    %dot_general3A_132 = tpu.matmul %add3A_127, %get3A_130, %dot_general3A_131 {dimension_numbers = #tpu.dot_dimension_numbers<[1], [0], [0], [1], [0, 0, 1, 1], [], []>, transpose_lhs_hint = false} : vector<1x100xf32>, vector<100x128xf32>, vector<1x128xf32> -> vector<1x128xf32>
    %get3A_133 = arith.constant 0 : index
    %get3A_134 = arith.constant 0 : index
    %get3A_135 = vector.load %arg10[%get3A_133, %get3A_134] : memref<128x128xf32, #tpu.memory_space<vmem>>, vector<128x128xf32>
    %dot_general3A_136 = arith.constant dense<0.000000e+00> : vector<256x128xf32>
    %dot_general3A_137 = tpu.matmul %reduce_sum3A_91, %get3A_135, %dot_general3A_136 {dimension_numbers = #tpu.dot_dimension_numbers<[1], [0], [0], [1], [0, 0, 1, 1], [], []>, transpose_lhs_hint = false} : vector<256x128xf32>, vector<128x128xf32>, vector<256x128xf32> -> vector<256x128xf32>
    %get3A_138 = arith.constant 0 : index
    %get3A_139 = arith.constant 0 : index
    %get3A_140 = vector.load %arg3[%get3A_138, %get3A_139] : memref<256x128xf32, #tpu.memory_space<vmem>>, vector<256x128xf32>
    %get3A_141 = arith.constant 0 : index
    %get3A_142 = arith.constant 0 : index
    %get3A_143 = vector.load %arg11[%get3A_141, %get3A_142] : memref<128x128xf32, #tpu.memory_space<vmem>>, vector<128x128xf32>
    %dot_general3A_144 = arith.constant dense<0.000000e+00> : vector<256x128xf32>
    %dot_general3A_145 = tpu.matmul %get3A_140, %get3A_143, %dot_general3A_144 {dimension_numbers = #tpu.dot_dimension_numbers<[1], [0], [0], [1], [0, 0, 1, 1], [], []>, transpose_lhs_hint = false} : vector<256x128xf32>, vector<128x128xf32>, vector<256x128xf32> -> vector<256x128xf32>
    %add3A_146 = arith.addf %dot_general3A_137, %dot_general3A_145 : vector<256x128xf32>
    %get3A_147 = arith.constant 0 : index
    %get3A_148 = arith.constant 0 : index
    %get3A_149 = vector.load %arg16[%get3A_147, %get3A_148] : memref<1x128xf32, #tpu.memory_space<vmem>>, vector<1x128xf32>
    %add3A_150 = arith.addf %dot_general3A_132, %get3A_149 : vector<1x128xf32>
    %add3A_151 = vector.broadcast %add3A_150 : vector<1x128xf32> to vector<256x128xf32>
    %add3A_152 = arith.addf %add3A_146, %add3A_151 : vector<256x128xf32>
    %max3A_153 = arith.constant 0.000000e+00 : f32
    %max3A_154 = vector.broadcast %max3A_153 : f32 to vector<256x128xf32>
    %max3A_155 = arith.maximumf %add3A_152, %max3A_154 : vector<256x128xf32>
    %swap3A = arith.constant 0 : index
    %swap3A_156 = arith.constant 0 : index
    %swap3A_157 = vector.load %arg17[%swap3A, %swap3A_156] : memref<256x128xf32, #tpu.memory_space<vmem>>, vector<256x128xf32>
    tpu.vector_store %arg17[%swap3A, %swap3A_156], %max3A_155 {strides = array<i32>} : memref<256x128xf32, #tpu.memory_space<vmem>>, vector<256x128xf32>,
    return
  }
  func.func @transform_0(%arg0: i32) -> (i32, i32) {
    %c0_i32 = arith.constant 0 : i32
    %c0_i32_0 = arith.constant 0 : i32
    return %arg0, %c0_i32 : i32, i32
  }
  func.func @transform_1(%arg0: i32) -> (i32, i32) {
    %c0_i32 = arith.constant 0 : i32
    %c0_i32_0 = arith.constant 0 : i32
    return %arg0, %c0_i32 : i32, i32
  }
  func.func @transform_2(%arg0: i32) -> (i32, i32) {
    %c0_i32 = arith.constant 0 : i32
    %c0_i32_0 = arith.constant 0 : i32
    return %arg0, %c0_i32 : i32, i32
  }
  func.func @transform_3(%arg0: i32) -> (i32, i32) {
    %c0_i32 = arith.constant 0 : i32
    %c0_i32_0 = arith.constant 0 : i32
    return %arg0, %c0_i32 : i32, i32
  }
  func.func @transform_4(%arg0: i32) -> (i32, i32) {
    %c0_i32 = arith.constant 0 : i32
    %c0_i32_0 = arith.constant 0 : i32
    return %arg0, %c0_i32 : i32, i32
  }
  func.func @transform_5(%arg0: i32) -> (i32, i32) {
    %c0_i32 = arith.constant 0 : i32
    %c0_i32_0 = arith.constant 0 : i32
    return %arg0, %c0_i32 : i32, i32
  }
  func.func @transform_6(%arg0: i32) -> (i32, i32) {
    %c0_i32 = arith.constant 0 : i32
    %c0_i32_0 = arith.constant 0 : i32
    %c0_i32_1 = arith.constant 0 : i32
    return %c0_i32, %c0_i32_0 : i32, i32
  }
  func.func @transform_7(%arg0: i32) -> (i32, i32) {
    %c0_i32 = arith.constant 0 : i32
    %c0_i32_0 = arith.constant 0 : i32
    %c0_i32_1 = arith.constant 0 : i32
    return %c0_i32, %c0_i32_0 : i32, i32
  }
  func.func @transform_8(%arg0: i32) -> (i32, i32) {
    %c0_i32 = arith.constant 0 : i32
    %c0_i32_0 = arith.constant 0 : i32
    %c0_i32_1 = arith.constant 0 : i32
    return %c0_i32, %c0_i32_0 : i32, i32
  }
  func.func @transform_9(%arg0: i32) -> (i32, i32) {
    %c0_i32 = arith.constant 0 : i32
    %c0_i32_0 = arith.constant 0 : i32
    %c0_i32_1 = arith.constant 0 : i32
    return %c0_i32, %c0_i32_0 : i32, i32
  }
  func.func @transform_10(%arg0: i32) -> (i32, i32) {
    %c0_i32 = arith.constant 0 : i32
    %c0_i32_0 = arith.constant 0 : i32
    %c0_i32_1 = arith.constant 0 : i32
    return %c0_i32, %c0_i32_0 : i32, i32
  }
  func.func @transform_11(%arg0: i32) -> (i32, i32) {
    %c0_i32 = arith.constant 0 : i32
    %c0_i32_0 = arith.constant 0 : i32
    %c0_i32_1 = arith.constant 0 : i32
    return %c0_i32, %c0_i32_0 : i32, i32
  }
  func.func @transform_12(%arg0: i32) -> (i32, i32) {
    %c0_i32 = arith.constant 0 : i32
    %c0_i32_0 = arith.constant 0 : i32
    %c0_i32_1 = arith.constant 0 : i32
    return %c0_i32, %c0_i32_0 : i32, i32
  }
  func.func @transform_13(%arg0: i32) -> (i32, i32) {
    %c0_i32 = arith.constant 0 : i32
    %c0_i32_0 = arith.constant 0 : i32
    %c0_i32_1 = arith.constant 0 : i32
    return %c0_i32, %c0_i32_0 : i32, i32
  }
  func.func @transform_14(%arg0: i32) -> (i32, i32) {
    %c0_i32 = arith.constant 0 : i32
    %c0_i32_0 = arith.constant 0 : i32
    %c0_i32_1 = arith.constant 0 : i32
    return %c0_i32, %c0_i32_0 : i32, i32
  }
  func.func @transform_15(%arg0: i32) -> (i32, i32) {
    %c0_i32 = arith.constant 0 : i32
    %c0_i32_0 = arith.constant 0 : i32
    %c0_i32_1 = arith.constant 0 : i32
    return %c0_i32, %c0_i32_0 : i32, i32
  }
  func.func @transform_16(%arg0: i32) -> (i32, i32) {
    %c0_i32 = arith.constant 0 : i32
    %c0_i32_0 = arith.constant 0 : i32
    return %arg0, %c0_i32 : i32, i32
  }
}

</mosaic_0001>

<sc_bundles>
// kernel: kernel.5.cloned.1.call-start
scs
__scs_entry_jumppad:
0x0: {  	(pc) =	sbr.rel $0x88, $3  }
0x1: {  	(tag) =	ssettag $0x0;
	lr =	simm.s32 $0x1  }
0x2: {  	[smem:$0x3F94] =	sst lr;
	_ =	strace $0xD0000000  }
0x3: {  	_ = 	snop  }
0x4: {  	_ = 	snop  }
0x5: {  	_ = 	snop  }
0x6: {  	_ = 	snop  }
0x7: {  	_ = 	snop  }
__scs_overlays_trampoline_lowered:
0x8: {  	[smem:$0x3FA3] =	sst s0  }
0x9: {  	[smem:$0x3FA4] =	sst s1  }
0xa: {  	[smem:$0x3FA5] =	sst s2  }
0xb: {  	[smem:$0x3FA6] =	sst s3  }
0xc: {  	[smem:$0x3FA7] =	sst s4  }
0xd: {  	[smem:$0x3FA8] =	sst s5  }
0xe: {  	[smem:$0x3FA9] =	sst s6  }
0xf: {  	[smem:$0x3FAA] =	sst s7  }
0x10: {  	[smem:$0x3FAB] =	sst s8  }
0x11: {  	[smem:$0x3FAC] =	sst s9;
	s0 =	simm.s32 @!p0 $0x0  }
0x12: {  	s1 =	sld [smem:$0x3F92];
	s0 =	simm.s32 @p0 $0x1  }
0x13: {  	[smem:$0x3FAD] =	sst s0;
	s0 =	simm.s32 @!p1 $0x0  }
0x14: {  	s2 =	sld [smem:$0x3F91];
	s0 =	simm.s32 @p1 $0x1  }
0x15: {  	[smem:$0x3FAE] =	sst s0;
	s0 =	simm.s32 @!p2 $0x0  }
0x16: {  	s3 =	sld [smem:$0x3FDB];
	s0 =	simm.s32 @p2 $0x1  }
0x17: {  	s4 =	simm.s32 $0x1BF5;
	[smem:$0x3FB0] =	sst s0  }
0x18: {  	s0 =	sld [smem:$0x3F93];
	_ =	swait.ge [sflag:s4], $0x0  }
0x19: {  	s7 =	sld [smem:$0x3F94]  }
0x1a: {  	s8 =	sadd.s32 $0xFFFFE003, lr  }
0x1b: {  	s9 =	sadd.s32 $0xFFFFFEF7, lr;
	s5 =	simm.s32 $0xFFFFFFFF;
	p2 =	slt.u32 s8, $0xFFFFF086  }
0x1c: {  	p1 =	slt.u32 s9, $0xF7A;
	s5 =	simm.s32 @!p2 $0x0  }
0x1d: {  	s5 =	simm.s32 @p1 $0x1;
	p0 =	seq.s32 s7, s2  }
0x1e: {  	s7 =	smul.u32 @!p0 $0xF7A, s2;
	p2 =	seq.s32 @!p0 s5, $0x0  }
0x1f: {  	s9 =	smul.u32 $0xF7A, s1;
	s8 =	simm.s32 @!p0 $0x1BF5;
	p2 =	por !p2, p0  }
0x20: {  	[sflag:s8] =	ssyncset.s32 @!p0 $0xFFFFF086;
	s6 =	sadd.s32 @!p0 s3, s7;
	s7 =	simm.s32 @!p0 $0x108  }
0x21: {  	s3 =	sadd.s32 s3, s9;
	s6 =	sadd.s32 @!p0 $0x88, s6;
	s7 =	simm.s32 @p2 $0x1082  }
0x22: {  	[simem:s7], [sflag:s8] =	dma.local @!p0 [hbm:s6], $0xF7A  }
0x23: {  	s9 =	sor.u32 $0xD0000000, s2;
	s6 =	simm.s32 $0x108;
	_ =	swait.ge @!p0 [sflag:s8], $0x0  }
0x24: {  	s3 =	sadd.s32 $0x88, s3;
	s6 =	simm.s32 @!p1 $0x1082;
	[sflag:s4] =	ssyncset.s32 $0xFFFFF086  }
0x25: {  	[simem:s6], [sflag:s4] =	dma.local [hbm:s3], $0xF7A  }
0x26: {  	[smem:$0x3F94] =	sst s1;
	(tag) =	ssettag s2;
	_ =	strace s9  }
0x27: {  	s1 =	sld [smem:$0x3FA4]  }
0x28: {  	s2 =	sld [smem:$0x3FA5]  }
0x29: {  	s4 =	sld [smem:$0x3FA7]  }
0x2a: {  	p0 =	seq.s32 s5, $0x0;
	s5 =	sld [smem:$0x3FA8]  }
0x2b: {  	s6 =	sld [smem:$0x3FA9]  }
0x2c: {  	s7 =	sld [smem:$0x3FAA]  }
0x2d: {  	s3 =	simm.s32 $0x108;
	s8 =	sld [smem:$0x3FAB]  }
0x2e: {  	s3 =	simm.s32 @!p0 $0x1082;
	s9 =	sld [smem:$0x3FAC]  }
0x2f: {  	lr =	sadd.s32 s0, s3;
	s0 =	sld [smem:$0x3FA3]  }
0x30: {  	s3 =	sld [smem:$0x3FA6]  }
0x31: {  	[smem:$0x3FAF] =	sst s10  }
0x32: {  	s10 =	sld [smem:$0x3FAD];
	_ =	sdelay $0x3  }
0x33: {  	p0 =	seq.s32 s10, $0x1;
	s10 =	sld [smem:$0x3FAF];
	_ =	sdelay $0x3  }
0x34: {  	[smem:$0x3FAF] =	sst s10  }
0x35: {  	s10 =	sld [smem:$0x3FAE];
	_ =	sdelay $0x3  }
0x36: {  	p1 =	seq.s32 s10, $0x1;
	s10 =	sld [smem:$0x3FAF];
	_ =	sdelay $0x3  }
0x37: {  	[smem:$0x3FAF] =	sst s10  }
0x38: {  	s10 =	sld [smem:$0x3FB0]  }
0x39: {  	_ = 	snop;
	(pc) =	sbr.ind lr, $3  }
0x3a: {  	_ = 	snop  }
0x3b: {  	_ = 	snop  }
0x3c: {  	p2 =	seq.s32 s10, $0x1;
	s10 =	sld [smem:$0x3FAF]  }
0x3d: {  	_ =	shalt  }
0x3e: {  	_ =	shalt  }
0x3f: {  	_ =	shalt  }
0x40: {  	_ =	shalt  }
0x41: {  	_ =	shalt  }
0x42: {  	_ =	shalt  }
0x43: {  	_ =	shalt  }
0x44: {  	_ =	shalt  }
0x45: {  	_ =	shalt  }
0x46: {  	_ =	shalt  }
0x47: {  	_ =	shalt  }
0x48: {  	_ =	shalt  }
0x49: {  	_ =	shalt  }
0x4a: {  	_ =	shalt  }
0x4b: {  	_ =	shalt  }
0x4c: {  	_ =	shalt  }
0x4d: {  	_ =	shalt  }
0x4e: {  	_ =	shalt  }
0x4f: {  	_ =	shalt  }
0x50: {  	_ =	shalt  }
0x51: {  	_ =	shalt  }
0x52: {  	_ =	shalt  }
0x53: {  	_ =	shalt  }
0x54: {  	_ =	shalt  }
0x55: {  	_ =	shalt  }
0x56: {  	_ =	shalt  }
0x57: {  	_ =	shalt  }
0x58: {  	_ =	shalt  }
0x59: {  	_ =	shalt  }
0x5a: {  	_ =	shalt  }
0x5b: {  	_ =	shalt  }
0x5c: {  	_ =	shalt  }
0x5d: {  	_ =	shalt  }
0x5e: {  	_ =	shalt  }
0x5f: {  	_ =	shalt  }
0x60: {  	_ =	shalt  }
0x61: {  	_ =	shalt  }
0x62: {  	_ =	shalt  }
0x63: {  	_ =	shalt  }
0x64: {  	_ =	shalt  }
0x65: {  	_ =	shalt  }
0x66: {  	_ =	shalt  }
0x67: {  	_ =	shalt  }
0x68: {  	_ =	shalt  }
0x69: {  	_ =	shalt  }
0x6a: {  	_ =	shalt  }
0x6b: {  	_ =	shalt  }
0x6c: {  	_ =	shalt  }
0x6d: {  	_ =	shalt  }
0x6e: {  	_ =	shalt  }
0x6f: {  	_ =	shalt  }
0x70: {  	_ =	shalt  }
0x71: {  	_ =	shalt  }
0x72: {  	_ =	shalt  }
0x73: {  	_ =	shalt  }
0x74: {  	_ =	shalt  }
0x75: {  	_ =	shalt  }
0x76: {  	_ =	shalt  }
0x77: {  	_ =	shalt  }
0x78: {  	_ =	shalt  }
0x79: {  	_ =	shalt  }
0x7a: {  	_ =	shalt  }
0x7b: {  	_ =	shalt  }
0x7c: {  	_ =	shalt  }
0x7d: {  	_ =	shalt  }
0x7e: {  	_ =	shalt  }
0x7f: {  	_ =	shalt  }
0x80: {  	_ =	shalt  }
0x81: {  	_ =	shalt  }
0x82: {  	_ =	shalt  }
0x83: {  	_ =	shalt  }
0x84: {  	_ =	shalt  }
0x85: {  	_ =	shalt  }
0x86: {  	_ =	shalt  }
0x87: {  	_ =	shalt  }
.Lfunc_end0:
.L_simem_size_0:
called_computation_lowered:
.L_overlay_start_0:
0x88: {  	s2 =	sld [smem:$0x3FD9]  }
0x89: {  	s3 =	sld [smem:$0x3FFE];
	_ =	sdelay $0x1  }
0x8a: {  	s1 =	srdreg.scid  }
0x8b: {  	s0 =	sand.u32 $0x1, s1  }
0x8c: {  	s17 =	sshll.u32 s0, $0xA;
	s2 =	sadd.s32 s3, s2  }
0x8d: {  	s2 =	sadd.s32 s2, s17  }
0x8e: {  	[smem:$0x3FBB] =	sst s2  }
0x8f: {  	_ = 	snop  }
0x90: {  	s5 =	sld [smem:$0x3FC9]  }
0x91: {  	s18 =	sld [smem:$0x3FC8]  }
0x92: {  	s4 =	sld [smem:$0x3FD0];
	(tm) =	ssettm $0x1  }
0x93: {  	s19 =	sld [smem:$0x3FFB];
	_ =	sdelay $0x3  }
0x94: {  	_ =	strace s19  }
0x95: {  	s2 =	sld [smem:$0x3FFC];
	_ =	sdelay $0x3  }
0x96: {  	_ =	strace s2  }
0x97: {  	s2 =	sld [smem:$0x3FFD];
	_ =	sdelay $0x3  }
0x98: {  	_ =	strace s2  }
0x99: {  	_ =	strace $0x8FFFFFFF  }
0x9a: {  	s20 =	sld [smem:$0x3FDB];
	_ =	sdelay $0x1  }
0x9b: {  	s6 =	simm.s32 $_scs_section_size  }
0x9c: {  	s7 =	simm.s32 $_size__tile_overlayer_lowered;
	s8 =	simm.s32 $_tile_overlayer_lowered  }
0x9d: {  	s9 =	simm.s32 $0x1BFF;
	s21 =	sshll.u32 s8, $0x1;
	s6 =	sadd.s32 s6, s20  }
0x9e: {  	s22 =	simm.s32 $0x0;
	s7 =	sshll.u32 s7, $0x1;
	s8 =	sadd.s32 s21, s6  }
0x9f: {  	[timem:s22], [sflag:s9] =	dma.local [hbm:s8], s7  }
0xa0: {  	_ =	swait.ge [sflag:s9], s7  }
0xa1: {  	s7 =	ssub.s32 $0x0, s7;
	[sflag:s9] =	ssyncset.done $0x0  }
0xa2: {  	[sflag:s9] =	ssyncadd.s32 s7;
	_ =	sdelay $0x1  }
0xa3: {  	s23 =	simm.s32 $0x1B8B  }
0xa4: {  	_ =	swait.ge [sflag:s23], $0x1  }
0xa5: {  	[sflag:s23] =	ssyncset.done $0x0  }
0xa6: {  	[sflag:s23] =	ssyncadd.s32 $0xFFFFFFFF  }
0xa7: {  	s7 =	sld [smem:$0x0]  }
0xa8: {  	s8 =	sand.u32 $0xFFFFFFFE, s1  }
0xa9: {  	p0 =	sne.s32 s1, s8  }
0xaa: {  	s8 =	sshll.u32 @p0 s8, $0xE  }
0xab: {  	s8 =	sadd.s32 @p0 $0x11B8D, s8;
	s9 =	sshll.u32 @p0 s7, $0x11  }
0xac: {  	s8 =	sor.u32 @p0 s9, s8  }
0xad: {  	[sflag:s8] =	ssyncadd.remote.s32 @p0 $0x1;
	_ =	sdelay $0x1  }
0xae: {  	s8 =	simm.s32 @p0 $0x1B8D  }
0xaf: {  	_ =	swait.eq @p0 [sflag:s8], $0x1  }
0xb0: {  	[sflag:s8] =	ssyncadd.s32 @p0 $0xFFFFFFFF  }
0xb1: {  	s9 =	sshll.u32 @!p0 s1, $0xE  }
0xb2: {  	s9 =	sor.u32 @!p0 $0x4000, s9;
	s8 =	simm.s32 @!p0 $0x1B8D  }
0xb3: {  	s7 =	sshll.u32 @!p0 s7, $0x11;
	s9 =	sadd.s32 @!p0 $0x11B8D, s9;
	_ =	swait.eq @!p0 [sflag:s8], $0x1  }
0xb4: {  	s7 =	sor.u32 @!p0 s7, s9;
	[sflag:s8] =	ssyncadd.s32 @!p0 $0xFFFFFFFF  }
0xb5: {  	s25 =	simm.s32 $0x1B8E;
	s24 =	sld [smem:$0x3FFE];
	[sflag:s7] =	ssyncadd.remote.s32 @!p0 $0x1  }
0xb6: {  	s26 =	simm.s32 $execute0_lowered;
	[smem:$0x3FD2] =	sst s25  }
0xb7: {  	s8 =	sshll.u32 s26, $0x1;
	_ =	strace $0x80000049;
	[dreg:$0x1] =	wrdreg $0xFFFFFFFF  }
0xb8: {  	s28 =	simm.s32 $_size_execute0_lowered;
	s6 =	sadd.s32 s6, s8;
	[dreg:$0x0] =	wrdreg $0x0  }
0xb9: {  	s8 =	sshll.u32 s28, $0x1;
	[dreg:$0x2] =	wrdreg s6  }
0xba: {  	[dreg:$0x3] =	wrdreg s8  }
0xbb: {  	[dreg:$0x4] =	wrdreg $0xC0  }
0xbc: {  	_ =	task [dreg:s22], $0x5FFFF  }
0xbd: {  	[dreg:$0x1] =	wrdreg $0xFFFFFFFF  }
0xbe: {  	[dreg:$0x0] =	wrdreg $0x60  }
0xbf: {  	[dreg:$0x2] =	wrdreg s5  }
0xc0: {  	[dreg:$0x3] =	wrdreg s24  }
0xc1: {  	[dreg:$0x4] =	wrdreg s18  }
0xc2: {  	[dreg:$0x5] =	wrdreg s4  }
0xc3: {  	[dreg:$0x6] =	wrdreg $0x9  }
0xc4: {  	_ =	task.clear_ibuf [dreg:s22], $0x7FFFF;
	_ =	strace $0x90000049  }
0xc5: {  	s29 =	simm.s32 $0x9;
	_ =	strace $0x8000004B  }
0xc6: {  	_ =	swait.ge [sflag:s29], $0x1  }
0xc7: {  	[sflag:s29] =	ssyncadd.s32 $0xFFFFFFFF  }
0xc8: {  	_ =	strace $0x9000004B  }
0xc9: {  	_ =	sfence  }
0xca: {  	s30 =	sld [smem:$0x0];
	_ =	sdelay $0x2  }
0xcb: {  	s31 =	sshll.u32 s1, $0xD;
	s1 =	sshrl.u32 s1, $0x2  }
0xcc: {  	s4 =	sand.u32 $0x4000, s31;
	s1 =	sadd.s32 s1, s30  }
0xcd: {  	s0 =	sor.u32 s4, s0;
	s1 =	sshll.u32 s1, $0x11  }
0xce: {  	s0 =	sor.u32 s1, s0  }
0xcf: {  	s0 =	sadd.s32 $0x8F2B, s0  }
0xd0: {  	[sflag:s0] =	ssyncadd.remote.s32 $0x1  }
0xd1: {  	_ =	sfence.sel $0xFFFF  }
0xd2: {  	[dreg:$0x0] =	wrdreg $0xFFFFFFFF;
	(pc) =	sbr.abs _section_cstart, $3  }
0xd3: {  	[dreg:$0x1] =	wrdreg $0xFFFFFFFF  }
0xd4: {  	_ =	task.clear_ibuf [dreg:s22], $0x2FFFF;
	_ =	strace $0x9FFFFFFF  }
0xd5: {  	(tm) =	ssettm $0x7FFFFFFF  }
tec
execute0_lowered:
.L_overlay_start_1:
0x0: {  	(tag) =	ssettag $0x1  }
0x1: {  	s1 =	rddreg [dreg:$0x0]  }
0x2: {  	s4 =	rddreg [dreg:$0x1];
	s2 =	srdreg.scid  }
0x3: {  	s0 =	stileid.u32;
	s14 =	rddreg [dreg:$0x2]  }
0x4: {  	s16 =	rddreg [dreg:$0x3];
	s19 =	smul.u32 $0x50000, s0  }
0x5: {  	s3 =	simm.s32 $0x0;
	s15 =	sand.u32 $0x1, s2;
	s20 =	smul.u32 $0x280000, s0  }
0x6: {  	s23 =	simm.s32 $0x3;
	s24 =	sshll.u32 s0, $0x1;
	s22 =	smul.u32 $0x140000, s15  }
0x7: {  	s9 =	sor.u32 s15, s24;
	s7 =	ssub.s32 $0x2, s15;
	s15 =	smul.u32 $0x28000, s15  }
0x8: {  	[smem:$0x7FF] =	sst s3;
	s17 =	sadd.s32 $0xB6A00, s4;
	s5 =	smul.u32 $0x500, s9  }
0x9: {  	_ =	strace $0x8000004A;
	s24 =	simm.s32 $0x2;
	s6 =	smul.u32 $0x140000, s9  }
0xa: {  	s25 =	sshrl.u32 s7, $0x1;
	s13 =	sshll.u32 s9, $0x9;
	s26 =	sshll.u32 s9, $0x6  }
0xb: {  	s9 =	sshll.u32 s9, $0xD;
	s29 =	sadd.s32 s19, s17;
	s8 =	ssub.s32 s7, s25  }
0xc: {  	s7 =	sadd.s32 s14, s26;
	s11 =	sor.u32 $0x80, s13;
	s9 =	sadd.s32 s16, s9  }
0xd: {  	s18 =	sor.u32 $0x100, s13;
	s21 =	sor.u32 $0x180, s13;
	s30 =	sadd.s32 s22, s20  }
0xe: {  	s20 =	simm.s32 $0x2800;
	s22 =	simm.s32 $0x1;
	s25 =	simm.s32 $0x4  }
0xf: {  	s26 =	simm.s32 $0x0;
	s5 =	sadd.s32 s5, s4;
	s6 =	sshrl.u32 s6, $0x3  }
0x10: {  	s8 =	smax.u32 s8, $0x1;
	s10 =	sshrl.u32 s11, $0x3;
	s11 =	sshll.u32 s11, $0x4  }
0x11: {  	s12 =	sshrl.u32 s18, $0x3;
	s18 =	sshll.u32 s18, $0x4;
	s28 =	sshrl.u32 s21, $0x3  }
0x12: {  	s31 =	sshll.u32 s21, $0x4;
	s19 =	sshrl.u32 s30, $0x3;
	s21 =	simm.s32 $0x6800  }
0x13: {  	s4 =	sadd.s32 $0xACA00, s5;
	s6 =	sadd.s32 s17, s6;
	s10 =	sadd.s32 s14, s10  }
0x14: {  	s11 =	sadd.s32 s16, s11;
	s12 =	sadd.s32 s14, s12;
	s13 =	sadd.s32 s16, s18  }
0x15: {  	s14 =	sadd.s32 s14, s28;
	s18 =	sadd.s32 s15, s29;
	s15 =	sadd.s32 s16, s31  }
0x16: {  	s17 =	sadd.s32 s19, s17;
	s19 =	simm.s32 $0x80;
	s5 =	sadd.s32 $0x27000, s6  }
0x17: {  	s6 =	sadd.s32 $0x27800, s6;
	s16 =	sadd.s32 $0x800, s18;
	s18 =	simm.s32 $0x5  }
.LBB2_1:
0x18: {  	[tilespmem:s3], [sflag:$0x5] =	stream.linear.gather [hbm4b:s4+s3], $0x2800, $0x38;
	[tilespmem:$0xA800] =	vst v63  }
0x19: {  	_ =	swait.ge [sflag:s18], $0x2800  }
0x1a: {  	[sflag:s18] =	ssyncset.done $0x0  }
0x1b: {  	[sflag:s18] =	ssyncadd.s32 $0xFFFFD800  }
0x1c: {  	[tilespmem:s20], [sflag:$0x1] =	stream.indirect.gather [hbm4b:s1+s19], $0x80, s3, s19, $0xb8;
	[tilespmem:$0xA800] =	vst v63  }
0x1d: {  	_ = 	snop  }
0x1e: {  	[tilespmem:s21], [sflag:$0x2] =	stream.indirect.gather [hbm4b:s1+s19], $0x80, s19, s19, $0xb8;
	[tilespmem:$0xA800] =	vst v63  }
0x1f: {  	_ =	swait.ge [sflag:s22], $0x4000  }
0x20: {  	[sflag:s22] =	ssyncset.done $0x0  }
0x21: {  	s28 =	sadd.s32 $0x0, s17;
	[sflag:s22] =	ssyncadd.s32 $0xFFFFC000  }
0x22: {  	[hbm4b:s28+s3] =	stream.linear.scatter [tilespmem:s20], [sflag:$0x3], $0x4000, $0x38;
	[tilespmem:$0xA800] =	vst v63  }
0x23: {  	_ =	swait.ge [sflag:s23], $0x4000  }
0x24: {  	[sflag:s23] =	ssyncset.done $0x0  }
0x25: {  	s28 =	simm.s32 $0x100;
	[sflag:s23] =	ssyncadd.s32 $0xFFFFC000  }
0x26: {  	[tilespmem:s20], [sflag:$0x1] =	stream.indirect.gather [hbm4b:s1+s19], $0x80, s28, s19, $0xb8;
	[tilespmem:$0xA800] =	vst v63  }
0x27: {  	_ =	swait.ge [sflag:s24], $0x4000  }
0x28: {  	[sflag:s24] =	ssyncset.done $0x0  }
0x29: {  	s28 =	sadd.s32 $0x0, s16;
	[sflag:s24] =	ssyncadd.s32 $0xFFFFC000  }
0x2a: {  	[hbm4b:s28+s3] =	stream.linear.scatter [tilespmem:s21], [sflag:$0x4], $0x4000, $0x38;
	[tilespmem:$0xA800] =	vst v63  }
0x2b: {  	_ =	swait.ge [sflag:s25], $0x4000  }
0x2c: {  	s29 =	simm.s32 $0x1000;
	[sflag:s25] =	ssyncset.done $0x0  }
0x2d: {  	s30 =	simm.s32 $0x280;
	s28 =	simm.s32 $0x180;
	[sflag:s25] =	ssyncadd.s32 $0xFFFFC000  }
.LBB2_2:
0x2e: {  	[tilespmem:s21], [sflag:$0x2] =	stream.indirect.gather [hbm4b:s1+s19], $0x80, s28, s19, $0xb8;
	[tilespmem:$0xA800] =	vst v63  }
0x2f: {  	s31 =	smov.u32 s29;
	s28 =	smov.u32 s30  }
0x30: {  	p0 =	sne.s32 s29, $0x26000;
	s29 =	sadd.s32 $0x1000, s29;
	_ =	swait.ge [sflag:s22], $0x4000  }
0x31: {  	[sflag:s22] =	ssyncset.done $0x0  }
0x32: {  	s2 =	sadd.s32 s31, s17;
	[sflag:s22] =	ssyncadd.s32 $0xFFFFC000  }
0x33: {  	[hbm4b:s2+s3] =	stream.linear.scatter [tilespmem:s20], [sflag:$0x3], $0x4000, $0x38;
	[tilespmem:$0xA800] =	vst v63  }
0x34: {  	_ =	swait.ge [sflag:s23], $0x4000  }
0x35: {  	[sflag:s23] =	ssyncset.done $0x0  }
0x36: {  	s2 =	sadd.s32 $0xFFFFFF80, s30;
	[sflag:s23] =	ssyncadd.s32 $0xFFFFC000  }
0x37: {  	[tilespmem:s20], [sflag:$0x1] =	stream.indirect.gather [hbm4b:s1+s19], $0x80, s2, s19, $0xb8;
	[tilespmem:$0xA800] =	vst v63  }
0x38: {  	_ =	swait.ge [sflag:s24], $0x4000  }
0x39: {  	[sflag:s24] =	ssyncset.done $0x0  }
.Ltmp0:
0x3a: {  	s2 =	sadd.s32 s31, s16;
	[sflag:s24] =	ssyncadd.s32 $0xFFFFC000;
	(pc) =	sbr.rel @p0 .LBB2_2-.Ltmp0, $4  }
0x3b: {  	[hbm4b:s2+s3] =	stream.linear.scatter [tilespmem:s21], [sflag:$0x4], $0x4000, $0x38;
	[tilespmem:$0xA800] =	vst v63  }
0x3c: {  	_ =	swait.ge [sflag:s25], $0x4000  }
0x3d: {  	[sflag:s25] =	ssyncset.done $0x0  }
0x3e: {  	s30 =	sadd.s32 $0x100, s30;
	[sflag:s25] =	ssyncadd.s32 $0xFFFFC000  }
0x3f: {  	[tilespmem:s21], [sflag:$0x2] =	stream.indirect.gather [hbm4b:s1+s19], $0x80, s28, s19, $0xb8;
	[tilespmem:$0xA800] =	vst v63  }
0x40: {  	_ =	swait.ge [sflag:s22], $0x4000  }
0x41: {  	[sflag:s22] =	ssyncset.done $0x0  }
0x42: {  	[sflag:s22] =	ssyncadd.s32 $0xFFFFC000  }
0x43: {  	[hbm4b:s5+s3] =	stream.linear.scatter [tilespmem:s20], [sflag:$0x3], $0x4000, $0x38;
	[tilespmem:$0xA800] =	vst v63  }
0x44: {  	_ =	swait.ge [sflag:s23], $0x4000  }
0x45: {  	[sflag:s23] =	ssyncset.done $0x0  }
0x46: {  	[sflag:s23] =	ssyncadd.s32 $0xFFFFC000  }
0x47: {  	_ =	swait.ge [sflag:s24], $0x4000  }
0x48: {  	[sflag:s24] =	ssyncset.done $0x0  }
0x49: {  	[sflag:s24] =	ssyncadd.s32 $0xFFFFC000  }
0x4a: {  	[hbm4b:s6+s3] =	stream.linear.scatter [tilespmem:s21], [sflag:$0x4], $0x4000, $0x38;
	[tilespmem:$0xA800] =	vst v63  }
0x4b: {  	_ =	swait.ge [sflag:s25], $0x4000  }
0x4c: {  	[sflag:s25] =	ssyncset.done $0x0  }
0x4d: {  	[sflag:s25] =	ssyncadd.s32 $0xFFFFC000  }
0x4e: {  	[tilespmem:s3], [sflag:$0x5] =	stream.linear.gather [hbm4b:s7+s3], $0x80, $0x38;
	[tilespmem:$0xA800] =	vst v63  }
0x4f: {  	_ =	swait.ge [sflag:s18], $0x80  }
0x50: {  	[sflag:s18] =	ssyncset.done $0x0  }
0x51: {  	[sflag:s18] =	ssyncadd.s32 $0xFFFFFF80  }
0x52: {  	[tilespmem:s20], [sflag:$0x1] =	stream.indirect.gather [hbm4b:s1+s19], $0x80, s3, s19, $0xb8;
	[tilespmem:$0xA800] =	vst v63  }
0x53: {  	_ =	swait.ge [sflag:s22], $0x4000  }
0x54: {  	[sflag:s22] =	ssyncset.done $0x0  }
0x55: {  	[sflag:s22] =	ssyncadd.s32 $0xFFFFC000  }
0x56: {  	[hbm4b:s9+s3] =	stream.linear.scatter [tilespmem:s20], [sflag:$0x5], $0x4000, $0x38;
	[tilespmem:$0xA800] =	vst v63  }
0x57: {  	_ =	swait.ge [sflag:s18], $0x4000  }
0x58: {  	[sflag:s18] =	ssyncset.done $0x0  }
0x59: {  	[sflag:s18] =	ssyncadd.s32 $0xFFFFC000  }
0x5a: {  	[tilespmem:s3], [sflag:$0x5] =	stream.linear.gather [hbm4b:s10+s3], $0x80, $0x38;
	[tilespmem:$0xA800] =	vst v63  }
0x5b: {  	_ =	swait.ge [sflag:s18], $0x80  }
0x5c: {  	[sflag:s18] =	ssyncset.done $0x0  }
0x5d: {  	[sflag:s18] =	ssyncadd.s32 $0xFFFFFF80  }
0x5e: {  	[tilespmem:s20], [sflag:$0x1] =	stream.indirect.gather [hbm4b:s1+s19], $0x80, s3, s19, $0xb8;
	[tilespmem:$0xA800] =	vst v63  }
0x5f: {  	_ =	swait.ge [sflag:s22], $0x4000  }
0x60: {  	[sflag:s22] =	ssyncset.done $0x0  }
0x61: {  	[sflag:s22] =	ssyncadd.s32 $0xFFFFC000  }
0x62: {  	[hbm4b:s11+s3] =	stream.linear.scatter [tilespmem:s20], [sflag:$0x5], $0x4000, $0x38;
	[tilespmem:$0xA800] =	vst v63  }
0x63: {  	_ =	swait.ge [sflag:s18], $0x4000  }
0x64: {  	[sflag:s18] =	ssyncset.done $0x0  }
0x65: {  	[sflag:s18] =	ssyncadd.s32 $0xFFFFC000  }
0x66: {  	[tilespmem:s3], [sflag:$0x5] =	stream.linear.gather [hbm4b:s12+s3], $0x80, $0x38;
	[tilespmem:$0xA800] =	vst v63  }
0x67: {  	_ =	swait.ge [sflag:s18], $0x80  }
0x68: {  	[sflag:s18] =	ssyncset.done $0x0  }
0x69: {  	[sflag:s18] =	ssyncadd.s32 $0xFFFFFF80  }
0x6a: {  	[tilespmem:s20], [sflag:$0x1] =	stream.indirect.gather [hbm4b:s1+s19], $0x80, s3, s19, $0xb8;
	[tilespmem:$0xA800] =	vst v63  }
0x6b: {  	_ =	swait.ge [sflag:s22], $0x4000  }
0x6c: {  	[sflag:s22] =	ssyncset.done $0x0  }
0x6d: {  	[sflag:s22] =	ssyncadd.s32 $0xFFFFC000  }
0x6e: {  	[hbm4b:s13+s3] =	stream.linear.scatter [tilespmem:s20], [sflag:$0x5], $0x4000, $0x38;
	[tilespmem:$0xA800] =	vst v63  }
0x6f: {  	_ =	swait.ge [sflag:s18], $0x4000  }
0x70: {  	[sflag:s18] =	ssyncset.done $0x0  }
0x71: {  	[sflag:s18] =	ssyncadd.s32 $0xFFFFC000  }
0x72: {  	[tilespmem:s3], [sflag:$0x5] =	stream.linear.gather [hbm4b:s14+s3], $0x80, $0x38;
	[tilespmem:$0xA800] =	vst v63  }
0x73: {  	_ =	swait.ge [sflag:s18], $0x80  }
0x74: {  	[sflag:s18] =	ssyncset.done $0x0  }
0x75: {  	[sflag:s18] =	ssyncadd.s32 $0xFFFFFF80  }
0x76: {  	[tilespmem:s20], [sflag:$0x1] =	stream.indirect.gather [hbm4b:s1+s19], $0x80, s3, s19, $0xb8;
	[tilespmem:$0xA800] =	vst v63  }
0x77: {  	s26 =	sadd.s32 $0x1, s26;
	_ =	swait.ge [sflag:s22], $0x4000  }
0x78: {  	p0 =	sne.s32 s26, s8;
	[sflag:s22] =	ssyncset.done $0x0  }
.Ltmp1:
0x79: {  	[sflag:s22] =	ssyncadd.s32 $0xFFFFC000;
	(pc) =	sbr.rel @p0 .LBB2_1-.Ltmp1, $4  }
0x7a: {  	[hbm4b:s15+s3] =	stream.linear.scatter [tilespmem:s20], [sflag:$0x5], $0x4000, $0x38;
	[tilespmem:$0xA800] =	vst v63  }
0x7b: {  	_ =	swait.ge [sflag:s18], $0x4000  }
0x7c: {  	[sflag:s18] =	ssyncset.done $0x0  }
0x7d: {  	[sflag:s18] =	ssyncadd.s32 $0xFFFFC000  }
0x7e: {  	_ =	sfence.sel $0x180000  }
0x7f: {  	[bflag:$0x0] =	sbarrier.arrive $0xFFFF  }
0x80: {  	_ =	strace $0x9000004A  }
0x81: {  	[bflag:$0x2] =	sbarrier.arrive $0xFFFF  }
0x82: {  	p0 =	sne.s32 s0, $0x0;
	s0 =	rddreg [dreg:$0x4]  }
0x83: {  	s0 =	sadd.s32 @!p0 $0x100000, s0  }
0x84: {  	[sflag:s0] =	ssyncadd.tile.s32 @!p0 $0x1;
	_ =	shalt  }
.Lfunc_end2:
_tile_overlayer_lowered:
.L_overlay_start_2:
0x85: {  	(tag) =	ssettag $0x2  }
0x86: {  	s0 =	rddreg [dreg:$0x0];
	s2 =	stileid.u32  }
0x87: {  	s1 =	rddreg [dreg:$0x1];
	p0 =	sne.s32 s2, $0x0  }
0x88: {  	s3 =	rddreg [dreg:$0x2];
	[bflag:$0x3] =	sbarrier.arrive $0xFFFF;
	s2 =	simm.s32 @!p0 $0x1C05  }
0x89: {  	[timem:s3], [sflag:s2] =	dma.local @!p0 [hbm:s0], s1  }
0x8a: {  	s0 =	simm.s32 @!p0 $0x5  }
0x8b: {  	_ =	swait.ge @!p0 [sflag:s0], s1  }
0x8c: {  	s1 =	ssub.s32 @!p0 $0x0, s1;
	[sflag:s0] =	ssyncset.done @!p0 $0x0  }
0x8d: {  	[sflag:s0] =	ssyncadd.s32 @!p0 s1  }
0x8e: {  	[bflag:$0x3] =	sbarrier.arrive $0xFFFF  }
0x8f: {  	_ =	shalt  }

// kernel: kernel.8.cloned.1.call-start
scs
__scs_entry_jumppad:
0x0: {  	(pc) =	sbr.rel $0x88, $3  }
0x1: {  	(tag) =	ssettag $0x0;
	lr =	simm.s32 $0x1  }
0x2: {  	[smem:$0x3F94] =	sst lr;
	_ =	strace $0xD0000000  }
0x3: {  	_ = 	snop  }
0x4: {  	_ = 	snop  }
0x5: {  	_ = 	snop  }
0x6: {  	_ = 	snop  }
0x7: {  	_ = 	snop  }
__scs_overlays_trampoline_lowered:
0x8: {  	[smem:$0x3FA3] =	sst s0  }
0x9: {  	[smem:$0x3FA4] =	sst s1  }
0xa: {  	[smem:$0x3FA5] =	sst s2  }
0xb: {  	[smem:$0x3FA6] =	sst s3  }
0xc: {  	[smem:$0x3FA7] =	sst s4  }
0xd: {  	[smem:$0x3FA8] =	sst s5  }
0xe: {  	[smem:$0x3FA9] =	sst s6  }
0xf: {  	[smem:$0x3FAA] =	sst s7  }
0x10: {  	[smem:$0x3FAB] =	sst s8  }
0x11: {  	[smem:$0x3FAC] =	sst s9;
	s0 =	simm.s32 @!p0 $0x0  }
0x12: {  	s1 =	sld [smem:$0x3F92];
	s0 =	simm.s32 @p0 $0x1  }
0x13: {  	[smem:$0x3FAD] =	sst s0;
	s0 =	simm.s32 @!p1 $0x0  }
0x14: {  	s2 =	sld [smem:$0x3F91];
	s0 =	simm.s32 @p1 $0x1  }
0x15: {  	[smem:$0x3FAE] =	sst s0;
	s0 =	simm.s32 @!p2 $0x0  }
0x16: {  	s3 =	sld [smem:$0x3FDB];
	s0 =	simm.s32 @p2 $0x1  }
0x17: {  	s4 =	simm.s32 $0x1BF5;
	[smem:$0x3FB0] =	sst s0  }
0x18: {  	s0 =	sld [smem:$0x3F93];
	_ =	swait.ge [sflag:s4], $0x0  }
0x19: {  	s7 =	sld [smem:$0x3F94]  }
0x1a: {  	s8 =	sadd.s32 $0xFFFFE003, lr  }
0x1b: {  	s9 =	sadd.s32 $0xFFFFFEF7, lr;
	s5 =	simm.s32 $0xFFFFFFFF;
	p2 =	slt.u32 s8, $0xFFFFF086  }
0x1c: {  	p1 =	slt.u32 s9, $0xF7A;
	s5 =	simm.s32 @!p2 $0x0  }
0x1d: {  	s5 =	simm.s32 @p1 $0x1;
	p0 =	seq.s32 s7, s2  }
0x1e: {  	s7 =	smul.u32 @!p0 $0xF7A, s2;
	p2 =	seq.s32 @!p0 s5, $0x0  }
0x1f: {  	s9 =	smul.u32 $0xF7A, s1;
	s8 =	simm.s32 @!p0 $0x1BF5;
	p2 =	por !p2, p0  }
0x20: {  	[sflag:s8] =	ssyncset.s32 @!p0 $0xFFFFF086;
	s6 =	sadd.s32 @!p0 s3, s7;
	s7 =	simm.s32 @!p0 $0x108  }
0x21: {  	s3 =	sadd.s32 s3, s9;
	s6 =	sadd.s32 @!p0 $0x88, s6;
	s7 =	simm.s32 @p2 $0x1082  }
0x22: {  	[simem:s7], [sflag:s8] =	dma.local @!p0 [hbm:s6], $0xF7A  }
0x23: {  	s9 =	sor.u32 $0xD0000000, s2;
	s6 =	simm.s32 $0x108;
	_ =	swait.ge @!p0 [sflag:s8], $0x0  }
0x24: {  	s3 =	sadd.s32 $0x88, s3;
	s6 =	simm.s32 @!p1 $0x1082;
	[sflag:s4] =	ssyncset.s32 $0xFFFFF086  }
0x25: {  	[simem:s6], [sflag:s4] =	dma.local [hbm:s3], $0xF7A  }
0x26: {  	[smem:$0x3F94] =	sst s1;
	(tag) =	ssettag s2;
	_ =	strace s9  }
0x27: {  	s1 =	sld [smem:$0x3FA4]  }
0x28: {  	s2 =	sld [smem:$0x3FA5]  }
0x29: {  	s4 =	sld [smem:$0x3FA7]  }
0x2a: {  	p0 =	seq.s32 s5, $0x0;
	s5 =	sld [smem:$0x3FA8]  }
0x2b: {  	s6 =	sld [smem:$0x3FA9]  }
0x2c: {  	s7 =	sld [smem:$0x3FAA]  }
0x2d: {  	s3 =	simm.s32 $0x108;
	s8 =	sld [smem:$0x3FAB]  }
0x2e: {  	s3 =	simm.s32 @!p0 $0x1082;
	s9 =	sld [smem:$0x3FAC]  }
0x2f: {  	lr =	sadd.s32 s0, s3;
	s0 =	sld [smem:$0x3FA3]  }
0x30: {  	s3 =	sld [smem:$0x3FA6]  }
0x31: {  	[smem:$0x3FAF] =	sst s10  }
0x32: {  	s10 =	sld [smem:$0x3FAD];
	_ =	sdelay $0x3  }
0x33: {  	p0 =	seq.s32 s10, $0x1;
	s10 =	sld [smem:$0x3FAF];
	_ =	sdelay $0x3  }
0x34: {  	[smem:$0x3FAF] =	sst s10  }
0x35: {  	s10 =	sld [smem:$0x3FAE];
	_ =	sdelay $0x3  }
0x36: {  	p1 =	seq.s32 s10, $0x1;
	s10 =	sld [smem:$0x3FAF];
	_ =	sdelay $0x3  }
0x37: {  	[smem:$0x3FAF] =	sst s10  }
0x38: {  	s10 =	sld [smem:$0x3FB0]  }
0x39: {  	_ = 	snop;
	(pc) =	sbr.ind lr, $3  }
0x3a: {  	_ = 	snop  }
0x3b: {  	_ = 	snop  }
0x3c: {  	p2 =	seq.s32 s10, $0x1;
	s10 =	sld [smem:$0x3FAF]  }
0x3d: {  	_ =	shalt  }
0x3e: {  	_ =	shalt  }
0x3f: {  	_ =	shalt  }
0x40: {  	_ =	shalt  }
0x41: {  	_ =	shalt  }
0x42: {  	_ =	shalt  }
0x43: {  	_ =	shalt  }
0x44: {  	_ =	shalt  }
0x45: {  	_ =	shalt  }
0x46: {  	_ =	shalt  }
0x47: {  	_ =	shalt  }
0x48: {  	_ =	shalt  }
0x49: {  	_ =	shalt  }
0x4a: {  	_ =	shalt  }
0x4b: {  	_ =	shalt  }
0x4c: {  	_ =	shalt  }
0x4d: {  	_ =	shalt  }
0x4e: {  	_ =	shalt  }
0x4f: {  	_ =	shalt  }
0x50: {  	_ =	shalt  }
0x51: {  	_ =	shalt  }
0x52: {  	_ =	shalt  }
0x53: {  	_ =	shalt  }
0x54: {  	_ =	shalt  }
0x55: {  	_ =	shalt  }
0x56: {  	_ =	shalt  }
0x57: {  	_ =	shalt  }
0x58: {  	_ =	shalt  }
0x59: {  	_ =	shalt  }
0x5a: {  	_ =	shalt  }
0x5b: {  	_ =	shalt  }
0x5c: {  	_ =	shalt  }
0x5d: {  	_ =	shalt  }
0x5e: {  	_ =	shalt  }
0x5f: {  	_ =	shalt  }
0x60: {  	_ =	shalt  }
0x61: {  	_ =	shalt  }
0x62: {  	_ =	shalt  }
0x63: {  	_ =	shalt  }
0x64: {  	_ =	shalt  }
0x65: {  	_ =	shalt  }
0x66: {  	_ =	shalt  }
0x67: {  	_ =	shalt  }
0x68: {  	_ =	shalt  }
0x69: {  	_ =	shalt  }
0x6a: {  	_ =	shalt  }
0x6b: {  	_ =	shalt  }
0x6c: {  	_ =	shalt  }
0x6d: {  	_ =	shalt  }
0x6e: {  	_ =	shalt  }
0x6f: {  	_ =	shalt  }
0x70: {  	_ =	shalt  }
0x71: {  	_ =	shalt  }
0x72: {  	_ =	shalt  }
0x73: {  	_ =	shalt  }
0x74: {  	_ =	shalt  }
0x75: {  	_ =	shalt  }
0x76: {  	_ =	shalt  }
0x77: {  	_ =	shalt  }
0x78: {  	_ =	shalt  }
0x79: {  	_ =	shalt  }
0x7a: {  	_ =	shalt  }
0x7b: {  	_ =	shalt  }
0x7c: {  	_ =	shalt  }
0x7d: {  	_ =	shalt  }
0x7e: {  	_ =	shalt  }
0x7f: {  	_ =	shalt  }
0x80: {  	_ =	shalt  }
0x81: {  	_ =	shalt  }
0x82: {  	_ =	shalt  }
0x83: {  	_ =	shalt  }
0x84: {  	_ =	shalt  }
0x85: {  	_ =	shalt  }
0x86: {  	_ =	shalt  }
0x87: {  	_ =	shalt  }
.Lfunc_end0:
.L_simem_size_0:
called_computation.1_lowered:
.L_overlay_start_0:
0x88: {  	s2 =	sld [smem:$0x3FD9]  }
0x89: {  	s3 =	sld [smem:$0x3FFE];
	_ =	sdelay $0x1  }
0x8a: {  	s1 =	srdreg.scid  }
0x8b: {  	s0 =	sand.u32 $0x1, s1  }
0x8c: {  	s16 =	sshll.u32 s0, $0xA;
	s2 =	sadd.s32 s3, s2  }
0x8d: {  	s2 =	sadd.s32 s2, s16  }
0x8e: {  	[smem:$0x3FBB] =	sst s2  }
0x8f: {  	_ = 	snop  }
0x90: {  	(tm) =	ssettm $0x1  }
0x91: {  	s17 =	sld [smem:$0x3FFB];
	_ =	sdelay $0x3  }
0x92: {  	_ =	strace s17  }
0x93: {  	s2 =	sld [smem:$0x3FFC];
	_ =	sdelay $0x3  }
0x94: {  	_ =	strace s2  }
0x95: {  	s2 =	sld [smem:$0x3FFD];
	_ =	sdelay $0x3  }
0x96: {  	_ =	strace s2  }
0x97: {  	_ =	strace $0x8FFFFFFF  }
0x98: {  	s18 =	sld [smem:$0x3FDB];
	_ =	sdelay $0x1  }
0x99: {  	s19 =	simm.s32 $_scs_section_size  }
0x9a: {  	s4 =	simm.s32 $_size__tile_overlayer_lowered;
	s5 =	simm.s32 $_tile_overlayer_lowered  }
0x9b: {  	s22 =	simm.s32 $0x1BFF;
	s21 =	sshll.u32 s5, $0x1;
	s2 =	sadd.s32 s19, s18  }
0x9c: {  	s6 =	simm.s32 $0x0;
	s20 =	sshll.u32 s4, $0x1;
	s4 =	sadd.s32 s21, s2  }
0x9d: {  	[timem:s6], [sflag:s22] =	dma.local [hbm:s4], s20  }
0x9e: {  	_ =	swait.ge [sflag:s22], s20  }
0x9f: {  	s3 =	ssub.s32 $0x0, s20;
	[sflag:s22] =	ssyncset.done $0x0  }
0xa0: {  	[sflag:s22] =	ssyncadd.s32 s3;
	_ =	sdelay $0x1  }
0xa1: {  	s23 =	simm.s32 $0x1B8B  }
0xa2: {  	_ =	swait.ge [sflag:s23], $0x1  }
0xa3: {  	[sflag:s23] =	ssyncset.done $0x0  }
0xa4: {  	s25 =	simm.s32 $0x1B8E;
	s24 =	sld [smem:$0x3FFE];
	[sflag:s23] =	ssyncadd.s32 $0xFFFFFFFF  }
0xa5: {  	s26 =	simm.s32 $execute0_lowered;
	[smem:$0x3FD2] =	sst s25  }
0xa6: {  	s4 =	sshll.u32 s26, $0x1;
	_ =	strace $0x80000046;
	[dreg:$0x1] =	wrdreg $0xFFFFFFFF  }
0xa7: {  	s28 =	simm.s32 $_size_execute0_lowered;
	s2 =	sadd.s32 s2, s4;
	[dreg:$0x0] =	wrdreg $0x0  }
0xa8: {  	s4 =	sshll.u32 s28, $0x1;
	[dreg:$0x2] =	wrdreg s2  }
0xa9: {  	[dreg:$0x3] =	wrdreg s4  }
0xaa: {  	[dreg:$0x4] =	wrdreg $0xC0  }
0xab: {  	_ =	task [dreg:s6], $0x5FFFF  }
0xac: {  	[dreg:$0x1] =	wrdreg $0xFFFFFFFF  }
0xad: {  	[dreg:$0x0] =	wrdreg $0x60  }
0xae: {  	[dreg:$0x2] =	wrdreg s24  }
0xaf: {  	[dreg:$0x3] =	wrdreg $0xA  }
0xb0: {  	_ =	task.clear_ibuf [dreg:s6], $0x4FFFF;
	_ =	strace $0x90000046  }
0xb1: {  	s29 =	simm.s32 $0xA;
	_ =	strace $0x80000048  }
0xb2: {  	_ =	swait.ge [sflag:s29], $0x1  }
0xb3: {  	[sflag:s29] =	ssyncadd.s32 $0xFFFFFFFF  }
0xb4: {  	_ =	strace $0x90000048  }
0xb5: {  	_ =	sfence  }
0xb6: {  	s30 =	sld [smem:$0x0];
	_ =	sdelay $0x2  }
0xb7: {  	s31 =	sshll.u32 s1, $0xD;
	s1 =	sshrl.u32 s1, $0x2  }
0xb8: {  	s3 =	sand.u32 $0x4000, s31;
	s1 =	sadd.s32 s1, s30  }
0xb9: {  	s0 =	sor.u32 s3, s0;
	s1 =	sshll.u32 s1, $0x11  }
0xba: {  	s0 =	sor.u32 s1, s0  }
0xbb: {  	s0 =	sadd.s32 $0x8F2B, s0  }
0xbc: {  	[sflag:s0] =	ssyncadd.remote.s32 $0x1  }
0xbd: {  	_ =	sfence.sel $0xFFFF  }
0xbe: {  	[dreg:$0x0] =	wrdreg $0xFFFFFFFF;
	(pc) =	sbr.abs _section_cstart, $3  }
0xbf: {  	[dreg:$0x1] =	wrdreg $0xFFFFFFFF  }
0xc0: {  	_ =	task.clear_ibuf [dreg:s6], $0x2FFFF;
	_ =	strace $0x9FFFFFFF  }
0xc1: {  	(tm) =	ssettm $0x7FFFFFFF  }
tec
execute0_lowered:
.L_overlay_start_1:
0x0: {  	(tag) =	ssettag $0x1  }
0x1: {  	s4 =	rddreg [dreg:$0x0]  }
0x2: {  	s0 =	rddreg [dreg:$0x1]  }
0x3: {  	s3 =	srdreg.scid;
	s1 =	stileid.u32  }
0x4: {  	s2 =	simm.s32 $0x0;
	s13 =	simm.s32 $0x3000;
	s14 =	simm.s32 $0x1  }
0x5: {  	s15 =	simm.s32 $0x3;
	s16 =	simm.s32 $0x2;
	s17 =	simm.s32 $0x4  }
0x6: {  	s18 =	simm.s32 $0x0;
	s5 =	sand.u32 $0x1, s3;
	s9 =	smul.u32 $0xA000, s1  }
0x7: {  	s29 =	sshll.u32 s1, $0x1;
	[smem:$0x7FF] =	sst s2;
	s11 =	smul.u32 $0x50000, s1  }
0x8: {  	s3 =	sadd.s32 $0x186CA00, s4;
	s10 =	sadd.s32 $0xCA00, s4;
	s12 =	smul.u32 $0x28000, s5  }
0x9: {  	s6 =	sor.u32 s5, s29;
	s8 =	ssub.s32 $0x2, s5;
	s31 =	smul.u32 $0x5000, s5  }
0xa: {  	_ =	strace $0x80000047;
	s7 =	smul.u32 $0x500, s6;
	s30 =	sshrl.u32 s8, $0x1  }
0xb: {  	s6 =	smul.u32 $0x28000, s6;
	s9 =	sadd.s32 s9, s10;
	s8 =	ssub.s32 s8, s30  }
0xc: {  	s11 =	sadd.s32 s12, s11;
	s9 =	sadd.s32 s31, s9;
	s12 =	simm.s32 $0x2800  }
0xd: {  	s7 =	sadd.s32 s7, s4;
	s6 =	sshrl.u32 s6, $0x3;
	s11 =	sshrl.u32 s11, $0x3  }
0xe: {  	s4 =	sadd.s32 $0x2A00, s7;
	s6 =	sadd.s32 s10, s6;
	s7 =	smax.u32 s8, $0x1  }
0xf: {  	s8 =	sadd.s32 $0x100, s9;
	s9 =	sadd.s32 s11, s10;
	s10 =	simm.s32 $0x5  }
0x10: {  	s11 =	simm.s32 $0x80;
	s5 =	sadd.s32 $0x4E00, s6;
	s6 =	sadd.s32 $0x4F00, s6  }
.LBB2_1:
0x11: {  	[tilespmem:s2], [sflag:$0x5] =	stream.linear.gather [hbm4b:s4+s2], $0x2800, $0x38;
	[tilespmem:$0x3800] =	vst v63  }
0x12: {  	_ =	swait.ge [sflag:s10], $0x2800  }
0x13: {  	[sflag:s10] =	ssyncset.done $0x0  }
0x14: {  	[sflag:s10] =	ssyncadd.s32 $0xFFFFD800  }
0x15: {  	[tilespmem:s12], [sflag:$0x1] =	stream.indirect.gather [hbm4b:s3+s11], $0x10, s2, s11, $0xb8;
	[tilespmem:$0x3800] =	vst v63  }
0x16: {  	_ = 	snop  }
0x17: {  	[tilespmem:s13], [sflag:$0x2] =	stream.indirect.gather [hbm4b:s3+s11], $0x10, s11, s11, $0xb8;
	[tilespmem:$0x3800] =	vst v63  }
0x18: {  	_ =	swait.ge [sflag:s14], $0x800  }
0x19: {  	[sflag:s14] =	ssyncset.done $0x0  }
0x1a: {  	s19 =	sadd.s32 $0x0, s9;
	[sflag:s14] =	ssyncadd.s32 $0xFFFFF800  }
0x1b: {  	[hbm4b:s19+s2] =	stream.linear.scatter [tilespmem:s12], [sflag:$0x3], $0x800, $0x38;
	[tilespmem:$0x3800] =	vst v63  }
0x1c: {  	_ =	swait.ge [sflag:s15], $0x800  }
0x1d: {  	[sflag:s15] =	ssyncset.done $0x0  }
0x1e: {  	s30 =	simm.s32 $0x100;
	[sflag:s15] =	ssyncadd.s32 $0xFFFFF800  }
0x1f: {  	[tilespmem:s12], [sflag:$0x1] =	stream.indirect.gather [hbm4b:s3+s11], $0x10, s30, s11, $0xb8;
	[tilespmem:$0x3800] =	vst v63  }
0x20: {  	_ =	swait.ge [sflag:s16], $0x800  }
0x21: {  	[sflag:s16] =	ssyncset.done $0x0  }
0x22: {  	s31 =	sadd.s32 $0x0, s8;
	[sflag:s16] =	ssyncadd.s32 $0xFFFFF800  }
0x23: {  	[hbm4b:s31+s2] =	stream.linear.scatter [tilespmem:s13], [sflag:$0x4], $0x800, $0x38;
	[tilespmem:$0x3800] =	vst v63  }
0x24: {  	_ =	swait.ge [sflag:s17], $0x800  }
0x25: {  	s20 =	simm.s32 $0x200;
	[sflag:s17] =	ssyncset.done $0x0  }
0x26: {  	s21 =	simm.s32 $0x280;
	s19 =	simm.s32 $0x180;
	[sflag:s17] =	ssyncadd.s32 $0xFFFFF800  }
.LBB2_2:
0x27: {  	[tilespmem:s13], [sflag:$0x2] =	stream.indirect.gather [hbm4b:s3+s11], $0x10, s19, s11, $0xb8;
	[tilespmem:$0x3800] =	vst v63  }
0x28: {  	s22 =	smov.u32 s20;
	s19 =	smov.u32 s21  }
0x29: {  	p0 =	sne.s32 s20, $0x4C00;
	s20 =	sadd.s32 $0x200, s20;
	_ =	swait.ge [sflag:s14], $0x800  }
0x2a: {  	[sflag:s14] =	ssyncset.done $0x0  }
0x2b: {  	s23 =	sadd.s32 s22, s9;
	[sflag:s14] =	ssyncadd.s32 $0xFFFFF800  }
0x2c: {  	[hbm4b:s23+s2] =	stream.linear.scatter [tilespmem:s12], [sflag:$0x3], $0x800, $0x38;
	[tilespmem:$0x3800] =	vst v63  }
0x2d: {  	_ =	swait.ge [sflag:s15], $0x800  }
0x2e: {  	[sflag:s15] =	ssyncset.done $0x0  }
0x2f: {  	s23 =	sadd.s32 $0xFFFFFF80, s21;
	[sflag:s15] =	ssyncadd.s32 $0xFFFFF800  }
0x30: {  	[tilespmem:s12], [sflag:$0x1] =	stream.indirect.gather [hbm4b:s3+s11], $0x10, s23, s11, $0xb8;
	[tilespmem:$0x3800] =	vst v63  }
0x31: {  	_ =	swait.ge [sflag:s16], $0x800  }
0x32: {  	[sflag:s16] =	ssyncset.done $0x0  }
.Ltmp0:
0x33: {  	s22 =	sadd.s32 s22, s8;
	[sflag:s16] =	ssyncadd.s32 $0xFFFFF800;
	(pc) =	sbr.rel @p0 .LBB2_2-.Ltmp0, $4  }
0x34: {  	[hbm4b:s22+s2] =	stream.linear.scatter [tilespmem:s13], [sflag:$0x4], $0x800, $0x38;
	[tilespmem:$0x3800] =	vst v63  }
0x35: {  	_ =	swait.ge [sflag:s17], $0x800  }
0x36: {  	[sflag:s17] =	ssyncset.done $0x0  }
0x37: {  	s21 =	sadd.s32 $0x100, s21;
	[sflag:s17] =	ssyncadd.s32 $0xFFFFF800  }
0x38: {  	[tilespmem:s13], [sflag:$0x2] =	stream.indirect.gather [hbm4b:s3+s11], $0x10, s19, s11, $0xb8;
	[tilespmem:$0x3800] =	vst v63  }
0x39: {  	_ =	swait.ge [sflag:s14], $0x800  }
0x3a: {  	[sflag:s14] =	ssyncset.done $0x0  }
0x3b: {  	[sflag:s14] =	ssyncadd.s32 $0xFFFFF800  }
0x3c: {  	[hbm4b:s5+s2] =	stream.linear.scatter [tilespmem:s12], [sflag:$0x3], $0x800, $0x38;
	[tilespmem:$0x3800] =	vst v63  }
0x3d: {  	_ =	swait.ge [sflag:s15], $0x800  }
0x3e: {  	[sflag:s15] =	ssyncset.done $0x0  }
0x3f: {  	[sflag:s15] =	ssyncadd.s32 $0xFFFFF800  }
0x40: {  	s18 =	sadd.s32 $0x1, s18;
	_ =	swait.ge [sflag:s16], $0x800  }
0x41: {  	p0 =	sne.s32 s18, s7;
	[sflag:s16] =	ssyncset.done $0x0  }
.Ltmp1:
0x42: {  	[sflag:s16] =	ssyncadd.s32 $0xFFFFF800;
	(pc) =	sbr.rel @p0 .LBB2_1-.Ltmp1, $4  }
0x43: {  	[hbm4b:s6+s2] =	stream.linear.scatter [tilespmem:s13], [sflag:$0x4], $0x800, $0x38;
	[tilespmem:$0x3800] =	vst v63  }
0x44: {  	_ =	swait.ge [sflag:s17], $0x800  }
0x45: {  	[sflag:s17] =	ssyncset.done $0x0  }
0x46: {  	[sflag:s17] =	ssyncadd.s32 $0xFFFFF800  }
0x47: {  	_ =	sfence.sel $0x180000  }
0x48: {  	[bflag:$0x0] =	sbarrier.arrive $0xFFFF  }
0x49: {  	p0 =	sne.s32 s1, $0x0;
	_ =	strace $0x90000047  }
0x4a: {  	s0 =	sadd.s32 @!p0 $0x100000, s0;
	[bflag:$0x2] =	sbarrier.arrive $0xFFFF  }
0x4b: {  	[sflag:s0] =	ssyncadd.tile.s32 @!p0 $0x1;
	_ =	shalt  }
.Lfunc_end2:
_tile_overlayer_lowered:
.L_overlay_start_2:
0x4c: {  	(tag) =	ssettag $0x2  }
0x4d: {  	s0 =	rddreg [dreg:$0x0];
	s2 =	stileid.u32  }
0x4e: {  	s1 =	rddreg [dreg:$0x1];
	p0 =	sne.s32 s2, $0x0  }
0x4f: {  	s3 =	rddreg [dreg:$0x2];
	[bflag:$0x3] =	sbarrier.arrive $0xFFFF;
	s2 =	simm.s32 @!p0 $0x1C05  }
0x50: {  	[timem:s3], [sflag:s2] =	dma.local @!p0 [hbm:s0], s1  }
0x51: {  	s0 =	simm.s32 @!p0 $0x5  }
0x52: {  	_ =	swait.ge @!p0 [sflag:s0], s1  }
0x53: {  	s1 =	ssub.s32 @!p0 $0x0, s1;
	[sflag:s0] =	ssyncset.done @!p0 $0x0  }
0x54: {  	[sflag:s0] =	ssyncadd.s32 @!p0 s1  }
0x55: {  	[bflag:$0x3] =	sbarrier.arrive $0xFFFF  }
0x56: {  	_ =	shalt  }

</sc_bundles>
